<compile_context>
chip_gen: v7x
topology: tpu7x:2x2x1
jax: 0.10.2.dev20260603
libtpu: 0.0.44.dev20260713+nightly
codegen_flags: <defaults>
</compile_context>

<pallas_src>
import functools

import jax
import jax.numpy as jnp
import numpy as np
from jax import lax
from jax.experimental import pallas as pl
from jax.experimental.pallas import tpu as pltpu
from jax.experimental.pallas import tpu_sc as plsc

_P = 8
_N = 100
_T = 10
_W20 = 2 * _T
_TWO_PI = np.float32(2.0 * np.pi)
_PI = np.float32(np.pi)
_HALF_PI = np.float32(np.pi / 2.0)
_Q = np.float32((2.0 * np.pi) / _P)

_ATAN_COEF = [np.float32(c) for c in (
    0.9999998999652773, -0.33332674305713506, 0.19987152762793234,
    -0.1417006414600397, 0.10531652562455919, -0.07302710404060626,
    0.040575162432038944, -0.01489037185530793, 0.0025799282931876833,
)]

_NC = 2
_NS = 16
_NW = _NC * _NS
_L = 16

_A = 64


def _atan2(a, b):
    aa = jnp.abs(a)
    ab = jnp.abs(b)
    mx = jnp.maximum(aa, ab)
    mn = jnp.minimum(aa, ab)
    den = jnp.where(mx > 0, mx, jnp.float32(1.0))
    t = mn / den
    z = t * t
    acc = _ATAN_COEF[-1]
    for c in _ATAN_COEF[-2::-1]:
        acc = acc * z + c
    r = t * acc
    r = jnp.where(aa > ab, _HALF_PI - r, r)
    r = jnp.where(b < 0, _PI - r, r)
    r = jnp.where(a < 0, -r, r)
    return r



def _feat_body(x_ref, vel_ref, dist_ref, th_ref, bin_ref):
    x = x_ref[...]
    r2000 = lax.broadcasted_iota(jnp.int32, (_N * _W20, _N), 0)
    c100 = lax.broadcasted_iota(jnp.int32, (_N * _W20, _N), 1)
    ssum = ((r2000 // _W20) == c100).astype(jnp.bfloat16)
    sums = lax.dot_general(x.astype(jnp.bfloat16), ssum,
                           (((1,), (0,)), ((), ())),
                           preferred_element_type=jnp.float32)
    r = lax.broadcasted_iota(jnp.int32, (_N * _W20, 512), 0)
    c = lax.broadcasted_iota(jnp.int32, (_N * _W20, 512), 1)
    g = c // 128
    j = c % 128
    i0 = j * _W20
    spos = (((g == 0) & (r == i0 + 18)) |
            ((g == 1) & (r == i0 + 19)) |
            ((g == 2) & (r == i0 + 18)) |
            ((g == 3) & (r == i0 + 19))).astype(jnp.float32)
    sneg = (((g == 0) & (r == i0)) |
            ((g == 1) & (r == i0 + 1))).astype(jnp.float32)
    sel = jnp.where(j < _N, spos - sneg, jnp.float32(0.0))
    y = lax.dot_general(x, sel, (((1,), (0,)), ((), ())),
                        preferred_element_type=jnp.float32)
    vx = y[:, 0:_N]
    vy = y[:, 128:128 + _N]
    lx = y[:, 256:256 + _N]
    ly = y[:, 384:384 + _N]
    vel = jnp.sqrt(vx * vx + vy * vy)
    dist = jnp.sqrt(lx * lx + ly * ly)
    th = _atan2(lx, ly)
    th2 = jnp.where(th < 0, th + _TWO_PI, th)
    binv = (th2 / _Q).astype(jnp.int32)
    ok = (sums != jnp.float32(0.0)) & (binv < _P)
    vel_ref[...] = vel
    dist_ref[...] = dist
    th_ref[...] = th2
    bin_ref[...] = jnp.where(ok, binv, _P)


def _tc_features(nt2, bb=256):
    B = nt2.shape[0]
    p100 = lambda i: (i, 0)
    return pl.pallas_call(
        _feat_body,
        grid=(B // bb,),
        in_specs=[
            pl.BlockSpec((bb, _N * _W20), p100),
        ],
        out_specs=[pl.BlockSpec((bb, _N), p100)] * 4,
        out_shape=[
            jax.ShapeDtypeStruct((B, _N), jnp.float32),
            jax.ShapeDtypeStruct((B, _N), jnp.float32),
            jax.ShapeDtypeStruct((B, _N), jnp.float32),
            jax.ShapeDtypeStruct((B, _N), jnp.int32),
        ],
    )(nt2)



def _sc_stage(vel, dist, th, bins, B):
    apw = B // _NW
    chunks = apw // _A
    pw = _A * _N

    mesh = plsc.VectorSubcoreMesh(core_axis_name="c", subcore_axis_name="s")

    @functools.partial(
        pl.kernel,
        out_type=jax.ShapeDtypeStruct((B * 512,), jnp.float32),
        mesh=mesh,
        compiler_params=pltpu.CompilerParams(needs_layout_passes=False,
                                             use_tc_tiling_on_sc=True),
        scratch_types=[
            pltpu.VMEM((pw + _L,), jnp.float32),
            pltpu.VMEM((pw + _L,), jnp.float32),
            pltpu.VMEM((pw + _L,), jnp.float32),
            pltpu.VMEM((pw + _L,), jnp.int32),
            pltpu.VMEM((_A * 512,), jnp.float32),
        ],
    )
    def sck(vel_hbm, dist_hbm, th_hbm, bin_hbm, out_hbm,
            vbuf, dbuf, tbuf, bbuf, acc):
        wid = lax.axis_index("c") * _NS + lax.axis_index("s")
        base_agent = wid * apw

        lanes = lax.broadcasted_iota(jnp.int32, (_L,), 0)
        zeros16 = jnp.zeros((_L,), jnp.float32)
        ones16 = jnp.full((_L,), 1.0, jnp.float32)

        def chunk_body(ci, _):
            a0 = base_agent + ci * _A
            pltpu.sync_copy(vel_hbm.at[pl.ds(a0 * _N, pw)],
                            vbuf.at[pl.ds(0, pw)])
            pltpu.sync_copy(dist_hbm.at[pl.ds(a0 * _N, pw)],
                            dbuf.at[pl.ds(0, pw)])
            pltpu.sync_copy(th_hbm.at[pl.ds(a0 * _N, pw)],
                            tbuf.at[pl.ds(0, pw)])
            pltpu.sync_copy(bin_hbm.at[pl.ds(a0 * _N, pw)],
                            bbuf.at[pl.ds(0, pw)])

            def zero_body(zi, _):
                for u in range(8):
                    acc[pl.ds((zi * 8 + u) * _L, _L)] = zeros16
                return 0
            lax.fori_loop(0, _A * 4, zero_body, 0)

            def agent_body(ai, _):
                abase = ai * _N
                arow = ai * 512
                for g in range((_N + _L - 1) // _L):
                    n0 = g * _L
                    idxb = abase + n0 + lanes
                    fvel = plsc.load_gather(vbuf, [idxb])
                    fdist = plsc.load_gather(dbuf, [idxb])
                    fth = plsc.load_gather(tbuf, [idxb])
                    binv = plsc.load_gather(bbuf, [idxb])
                    ok = binv < _P
                    if n0 + _L > _N:
                        ok = ok & (n0 + lanes < _N)
                    binc = jnp.where(ok, binv, 0)
                    row = arow + binc * (4 * _L) + lanes
                    plsc.addupdate_scatter(acc, [row], fvel, mask=ok)
                    plsc.addupdate_scatter(acc, [row + _L], fdist, mask=ok)
                    plsc.addupdate_scatter(acc, [row + 2 * _L], fth, mask=ok)
                    plsc.addupdate_scatter(acc, [row + 3 * _L], ones16,
                                           mask=ok)
                return 0

            lax.fori_loop(0, _A, agent_body, 0)
            pltpu.sync_copy(acc, out_hbm.at[pl.ds(a0 * 512, _A * 512)])
            return 0

        lax.fori_loop(0, chunks, chunk_body, 0)

    return sck(vel, dist, th, bins)



def _enc_body(s_ref, W_ref, b_ref, fsc_ref, sc_ref):
    s = s_ref[...]
    bb = s.shape[0]
    i512 = lax.broadcasted_iota(jnp.int32, (512, _P), 0)
    i8c = lax.broadcasted_iota(jnp.int32, (512, _P), 1)
    outs = []
    for f in range(4):
        sel = ((i512 // 64 == i8c) &
               ((i512 // _L) % 4 == f)).astype(jnp.float32)
        outs.append(lax.dot_general(s, sel, (((1,), (0,)), ((), ())),
                                    preferred_element_type=jnp.float32))
    n = outs[3] + jnp.float32(0.0001)
    v = outs[0] / n
    d = outs[1] / n
    g = outs[2] / n
    sc = jnp.stack([v, d, g], axis=-1)
    sc_ref[...] = sc
    flat = sc.reshape(bb * _P, 3)
    f = lax.dot_general(flat, W_ref[...], (((1,), (0,)), ((), ())),
                        preferred_element_type=jnp.float32)
    f = jnp.maximum(f + b_ref[...], 0.0)
    fsc_ref[...] = f.reshape(bb, _P, 128)


def _tc_stage(sums, W, b, bb=256):
    B = sums.shape[0]
    return pl.pallas_call(
        _enc_body,
        grid=(B // bb,),
        in_specs=[
            pl.BlockSpec((bb, 512), lambda i: (i, 0)),
            pl.BlockSpec((3, 128), lambda i: (0, 0)),
            pl.BlockSpec((1, 128), lambda i: (0, 0)),
        ],
        out_specs=[
            pl.BlockSpec((bb, _P, 128), lambda i: (i, 0, 0)),
            pl.BlockSpec((bb, _P, 3), lambda i: (i, 0, 0)),
        ],
        out_shape=[
            jax.ShapeDtypeStruct((B, _P, 128), jnp.float32),
            jax.ShapeDtypeStruct((B, _P, 3), jnp.float32),
        ],
    )(sums, W, b)


def kernel(trajs, nei_trajs, W, b):
    del trajs
    B = nei_trajs.shape[0]
    nt2 = nei_trajs.reshape(B, _N * _W20)
    vel, dist, th, bins = _tc_features(nt2)
    psums = _sc_stage(vel.reshape(B * _N), dist.reshape(B * _N),
                      th.reshape(B * _N), bins.reshape(B * _N),
                      B).reshape(B, 512)
    f_sc, social_circle = _tc_stage(psums, W, b.reshape(1, 128))
    return (f_sc, social_circle)

# --- scband reference (transcript-rebuilt; emitter-appended) ---
"""Pipeline reference for scband-social-circle-layer-4320737100230 (READ-ONLY COPY).

The authoritative reference and input builder live on the scoring server;
editing this copy changes nothing except your own understanding.
"""

import jax, jax.numpy as jnp
import numpy as np

P = 8          # partitions
D_OUT = 128    # output_units
DIM = 3        # use_velocity + use_distance + use_direction


def setup_inputs(seed: int = 0) -> dict:
    key = jax.random.key(seed)
    k1, k2, k3, k4 = jax.random.split(key, 4)
    trajs = jax.random.normal(k1, (16384, 10, 2), dtype=jnp.float32)
    nei_trajs = jax.random.normal(k2, (16384, 100, 10, 2), dtype=jnp.float32)
    # TrajEncoding = Dense(DIM -> D_OUT) with ReLU activation
    W = jax.random.normal(k3, (DIM, D_OUT), dtype=jnp.float32) * 0.1
    b = jax.random.normal(k4, (D_OUT,), dtype=jnp.float32) * 0.01
    return {"trajs": trajs, "nei_trajs": nei_trajs, "W": W, "b": b}


def reference(trajs, nei_trajs, W, b):
    two_pi = 2.0 * np.pi
    obs_vector = trajs[..., -1:, :] - trajs[..., 0:1, :]          # [B, 1, 2]
    nei_vector = nei_trajs[..., -1, :] - nei_trajs[..., 0, :]     # [B, N, 2]
    nei_posion_vector = nei_trajs[..., -1, :]                     # [B, N, 2]

    # velocity factor (relative_velocity = False)
    f_velocity = jnp.linalg.norm(nei_vector, axis=-1)             # [B, N]
    # distance factor
    f_distance = jnp.linalg.norm(nei_posion_vector, axis=-1)      # [B, N]
    # direction factor
    f_direction = jnp.arctan2(nei_posion_vector[..., 0], nei_posion_vector[..., 1])
    f_direction = f_direction % two_pi                            # [B, N]

    angle_indices = f_direction / (two_pi / P)
    angle_indices = angle_indices.astype(jnp.int32)               # [B, N]

    # get_mask: valid neighbor iff its padded trajectory is not all-zero
    nei_mask = (jnp.sum(nei_trajs, axis=(-1, -2)) != 0).astype(jnp.int32)  # [B, N]
    angle_indices = angle_indices * nei_mask + (-1) * (1 - nei_mask)

    social_circle = []
    for ang in range(P):
        _mask = (angle_indices == ang).astype(jnp.float32)        # [B, N]
        _mask_count = jnp.sum(_mask, axis=-1)                     # [B]
        n = _mask_count + 0.0001
        _velocity = jnp.sum(f_velocity * _mask, axis=-1) / n
        _distance = jnp.sum(f_distance * _mask, axis=-1) / n
        _direction = jnp.sum(f_direction * _mask, axis=-1) / n
        social_circle.append(jnp.stack([_velocity, _distance, _direction]))  # [DIM, B]

    social_circle = jnp.stack(social_circle)                      # [P, DIM, B]
    social_circle = jnp.transpose(social_circle, (2, 0, 1))       # [B, P, DIM]

    # TrajEncoding: Dense + ReLU
    f_sc = jax.nn.relu(social_circle @ W + b)                     # [B, P, D_OUT]
    return (f_sc, social_circle)

if __name__ == "__main__":
    import jax
    _d = setup_inputs()
    print(jax.jit(kernel)(*tuple(_d.values())))

</pallas_src>

<mosaic_0001>
#map = affine_map<(d0, d1) -> (0)>
module attributes {stable_mosaic.version = 14 : i64} {
  func.func @sck(%arg0: i32, %arg1: i32, %arg2: memref<1638400xf32, #tpu.memory_space<hbm>>, %arg3: memref<1638400xf32, #tpu.memory_space<hbm>>, %arg4: memref<1638400xf32, #tpu.memory_space<hbm>>, %arg5: memref<1638400xi32, #tpu.memory_space<hbm>>, %arg6: memref<8388608xf32, #tpu.memory_space<hbm>>, %arg7: memref<6416xf32, #tpu.memory_space<vmem>>, %arg8: memref<6416xf32, #tpu.memory_space<vmem>>, %arg9: memref<6416xf32, #tpu.memory_space<vmem>>, %arg10: memref<6416xi32, #tpu.memory_space<vmem>>, %arg11: memref<32768xf32, #tpu.memory_space<vmem>>) attributes {dimension_semantics = [#tpu.dimension_semantics<core_parallel>, #tpu.dimension_semantics<subcore_parallel>], iteration_bounds = array<i64: 2, 16>, scalar_prefetch = 0 : i64, scratch_operands = 5 : i64, tpu.core_type = #tpu.core_type<sc_vector_subcore>, window_params = [{transform_indices = #map}, {transform_indices = #map}, {transform_indices = #map}, {transform_indices = #map}, {transform_indices = #map}]} {
    %mul3A = arith.constant 16 : i32
    %mul3A_0 = arith.muli %arg0, %mul3A : i32
    %add3A = arith.addi %mul3A_0, %arg1 : i32
    %mul3A_1 = arith.constant 512 : i32
    %mul3A_2 = arith.muli %add3A, %mul3A_1 : i32
    %iota3A = tpu.iota {dimensions = array<i32: 0>} : vector<16xi32>
    %broadcast_in_dim3A = arith.constant 0.000000e+00 : f32
    %broadcast_in_dim3A_3 = vector.broadcast %broadcast_in_dim3A : f32 to vector<16xf32>
    %broadcast_in_dim3A_4 = arith.constant 1.000000e+00 : f32
    %broadcast_in_dim3A_5 = vector.broadcast %broadcast_in_dim3A_4 : f32 to vector<16xf32>
    %scan3A = arith.constant 0 : i32
    %scan3A_6 = arith.constant 0 : i32
    %scan3A_7 = arith.constant 8 : i32
    %scan3A_8 = arith.addi %scan3A_6, %scan3A_7 : i32
    %scan3A_9 = arith.constant 1 : i32
    %scan3A_10 = scf.for %scan3A_12 = %scan3A_6 to %scan3A_8 step %scan3A_9 iter_args(%scan3A_13 = %scan3A) -> (i32)  : i32 {
      %mul3A_14 = arith.constant 64 : i32
      %mul3A_15 = arith.muli %scan3A_12, %mul3A_14 : i32
      %add3A_16 = arith.addi %mul3A_2, %mul3A_15 : i32
      %mul3A_17 = arith.constant 100 : i32
      %mul3A_18 = arith.muli %add3A_16, %mul3A_17 : i32
      "tpu.region"() ({
        %run_scoped3A = tpu.sem_alloc : memref<!tpu.dma_semaphore, #tpu.memory_space<semaphore_mem>>
        %dma_start3A = arith.constant 0 : i32
        %dma_start3A_42 = tpu.memref_slice %arg7[%dma_start3A] : memref<6416xf32, #tpu.memory_space<vmem>> -> memref<6400xf32, #tpu.memory_space<vmem>>
        %dma_start3A_43 = tpu.memref_slice %arg2[%mul3A_18] : memref<1638400xf32, #tpu.memory_space<hbm>> -> memref<6400xf32, #tpu.memory_space<hbm>>
        %dma_start3A_44 = arith.constant 0 : i32
        %dma_start3A_45 = tpu.memref_slice %arg7[%dma_start3A_44] : memref<6416xf32, #tpu.memory_space<vmem>> -> memref<6400xf32, #tpu.memory_space<vmem>>
        %dma_start3A_46 = tpu.memref_slice %arg2[%mul3A_18] : memref<1638400xf32, #tpu.memory_space<hbm>> -> memref<6400xf32, #tpu.memory_space<hbm>>
        tpu.enqueue_dma source(%dma_start3A_46 : memref<6400xf32, #tpu.memory_space<hbm>>) target(%dma_start3A_45 : memref<6400xf32, #tpu.memory_space<vmem>>) target_semaphore(%run_scoped3A : memref<!tpu.dma_semaphore, #tpu.memory_space<semaphore_mem>>)
        %dma_wait3A = arith.constant 0 : i32
        %dma_wait3A_47 = tpu.memref_slice %arg7[%dma_wait3A] : memref<6416xf32, #tpu.memory_space<vmem>> -> memref<6400xf32, #tpu.memory_space<vmem>>
        %dma_wait3A_48 = tpu.memref_slice %arg2[%mul3A_18] : memref<1638400xf32, #tpu.memory_space<hbm>> -> memref<6400xf32, #tpu.memory_space<hbm>>
        %dma_wait3A_49 = arith.constant 0 : i32
        %dma_wait3A_50 = tpu.memref_slice %arg7[%dma_wait3A_49] : memref<6416xf32, #tpu.memory_space<vmem>> -> memref<6400xf32, #tpu.memory_space<vmem>>
        %dma_wait3A_51 = tpu.memref_slice %arg2[%mul3A_18] : memref<1638400xf32, #tpu.memory_space<hbm>> -> memref<6400xf32, #tpu.memory_space<hbm>>
        tpu.wait_dma2 semaphore(%run_scoped3A : memref<!tpu.dma_semaphore, #tpu.memory_space<semaphore_mem>>) src(%dma_wait3A_51 : memref<6400xf32, #tpu.memory_space<hbm>>) dst(%dma_wait3A_50 : memref<6400xf32, #tpu.memory_space<vmem>>)
        tpu.yield
      }) : () -> ()
      %mul3A_19 = arith.constant 100 : i32
      %mul3A_20 = arith.muli %add3A_16, %mul3A_19 : i32
      "tpu.region"() ({
        %run_scoped3A = tpu.sem_alloc : memref<!tpu.dma_semaphore, #tpu.memory_space<semaphore_mem>>
        %dma_start3A = arith.constant 0 : i32
        %dma_start3A_42 = tpu.memref_slice %arg8[%dma_start3A] : memref<6416xf32, #tpu.memory_space<vmem>> -> memref<6400xf32, #tpu.memory_space<vmem>>
        %dma_start3A_43 = tpu.memref_slice %arg3[%mul3A_20] : memref<1638400xf32, #tpu.memory_space<hbm>> -> memref<6400xf32, #tpu.memory_space<hbm>>
        %dma_start3A_44 = arith.constant 0 : i32
        %dma_start3A_45 = tpu.memref_slice %arg8[%dma_start3A_44] : memref<6416xf32, #tpu.memory_space<vmem>> -> memref<6400xf32, #tpu.memory_space<vmem>>
        %dma_start3A_46 = tpu.memref_slice %arg3[%mul3A_20] : memref<1638400xf32, #tpu.memory_space<hbm>> -> memref<6400xf32, #tpu.memory_space<hbm>>
        tpu.enqueue_dma source(%dma_start3A_46 : memref<6400xf32, #tpu.memory_space<hbm>>) target(%dma_start3A_45 : memref<6400xf32, #tpu.memory_space<vmem>>) target_semaphore(%run_scoped3A : memref<!tpu.dma_semaphore, #tpu.memory_space<semaphore_mem>>)
        %dma_wait3A = arith.constant 0 : i32
        %dma_wait3A_47 = tpu.memref_slice %arg8[%dma_wait3A] : memref<6416xf32, #tpu.memory_space<vmem>> -> memref<6400xf32, #tpu.memory_space<vmem>>
        %dma_wait3A_48 = tpu.memref_slice %arg3[%mul3A_20] : memref<1638400xf32, #tpu.memory_space<hbm>> -> memref<6400xf32, #tpu.memory_space<hbm>>
        %dma_wait3A_49 = arith.constant 0 : i32
        %dma_wait3A_50 = tpu.memref_slice %arg8[%dma_wait3A_49] : memref<6416xf32, #tpu.memory_space<vmem>> -> memref<6400xf32, #tpu.memory_space<vmem>>
        %dma_wait3A_51 = tpu.memref_slice %arg3[%mul3A_20] : memref<1638400xf32, #tpu.memory_space<hbm>> -> memref<6400xf32, #tpu.memory_space<hbm>>
        tpu.wait_dma2 semaphore(%run_scoped3A : memref<!tpu.dma_semaphore, #tpu.memory_space<semaphore_mem>>) src(%dma_wait3A_51 : memref<6400xf32, #tpu.memory_space<hbm>>) dst(%dma_wait3A_50 : memref<6400xf32, #tpu.memory_space<vmem>>)
        tpu.yield
      }) : () -> ()
      %mul3A_21 = arith.constant 100 : i32
      %mul3A_22 = arith.muli %add3A_16, %mul3A_21 : i32
      "tpu.region"() ({
        %run_scoped3A = tpu.sem_alloc : memref<!tpu.dma_semaphore, #tpu.memory_space<semaphore_mem>>
        %dma_start3A = arith.constant 0 : i32
        %dma_start3A_42 = tpu.memref_slice %arg9[%dma_start3A] : memref<6416xf32, #tpu.memory_space<vmem>> -> memref<6400xf32, #tpu.memory_space<vmem>>
        %dma_start3A_43 = tpu.memref_slice %arg4[%mul3A_22] : memref<1638400xf32, #tpu.memory_space<hbm>> -> memref<6400xf32, #tpu.memory_space<hbm>>
        %dma_start3A_44 = arith.constant 0 : i32
        %dma_start3A_45 = tpu.memref_slice %arg9[%dma_start3A_44] : memref<6416xf32, #tpu.memory_space<vmem>> -> memref<6400xf32, #tpu.memory_space<vmem>>
        %dma_start3A_46 = tpu.memref_slice %arg4[%mul3A_22] : memref<1638400xf32, #tpu.memory_space<hbm>> -> memref<6400xf32, #tpu.memory_space<hbm>>
        tpu.enqueue_dma source(%dma_start3A_46 : memref<6400xf32, #tpu.memory_space<hbm>>) target(%dma_start3A_45 : memref<6400xf32, #tpu.memory_space<vmem>>) target_semaphore(%run_scoped3A : memref<!tpu.dma_semaphore, #tpu.memory_space<semaphore_mem>>)
        %dma_wait3A = arith.constant 0 : i32
        %dma_wait3A_47 = tpu.memref_slice %arg9[%dma_wait3A] : memref<6416xf32, #tpu.memory_space<vmem>> -> memref<6400xf32, #tpu.memory_space<vmem>>
        %dma_wait3A_48 = tpu.memref_slice %arg4[%mul3A_22] : memref<1638400xf32, #tpu.memory_space<hbm>> -> memref<6400xf32, #tpu.memory_space<hbm>>
        %dma_wait3A_49 = arith.constant 0 : i32
        %dma_wait3A_50 = tpu.memref_slice %arg9[%dma_wait3A_49] : memref<6416xf32, #tpu.memory_space<vmem>> -> memref<6400xf32, #tpu.memory_space<vmem>>
        %dma_wait3A_51 = tpu.memref_slice %arg4[%mul3A_22] : memref<1638400xf32, #tpu.memory_space<hbm>> -> memref<6400xf32, #tpu.memory_space<hbm>>
        tpu.wait_dma2 semaphore(%run_scoped3A : memref<!tpu.dma_semaphore, #tpu.memory_space<semaphore_mem>>) src(%dma_wait3A_51 : memref<6400xf32, #tpu.memory_space<hbm>>) dst(%dma_wait3A_50 : memref<6400xf32, #tpu.memory_space<vmem>>)
        tpu.yield
      }) : () -> ()
      %mul3A_23 = arith.constant 100 : i32
      %mul3A_24 = arith.muli %add3A_16, %mul3A_23 : i32
      "tpu.region"() ({
        %run_scoped3A = tpu.sem_alloc : memref<!tpu.dma_semaphore, #tpu.memory_space<semaphore_mem>>
        %dma_start3A = arith.constant 0 : i32
        %dma_start3A_42 = tpu.memref_slice %arg10[%dma_start3A] : memref<6416xi32, #tpu.memory_space<vmem>> -> memref<6400xi32, #tpu.memory_space<vmem>>
        %dma_start3A_43 = tpu.memref_slice %arg5[%mul3A_24] : memref<1638400xi32, #tpu.memory_space<hbm>> -> memref<6400xi32, #tpu.memory_space<hbm>>
        %dma_start3A_44 = arith.constant 0 : i32
        %dma_start3A_45 = tpu.memref_slice %arg10[%dma_start3A_44] : memref<6416xi32, #tpu.memory_space<vmem>> -> memref<6400xi32, #tpu.memory_space<vmem>>
        %dma_start3A_46 = tpu.memref_slice %arg5[%mul3A_24] : memref<1638400xi32, #tpu.memory_space<hbm>> -> memref<6400xi32, #tpu.memory_space<hbm>>
        tpu.enqueue_dma source(%dma_start3A_46 : memref<6400xi32, #tpu.memory_space<hbm>>) target(%dma_start3A_45 : memref<6400xi32, #tpu.memory_space<vmem>>) target_semaphore(%run_scoped3A : memref<!tpu.dma_semaphore, #tpu.memory_space<semaphore_mem>>)
        %dma_wait3A = arith.constant 0 : i32
        %dma_wait3A_47 = tpu.memref_slice %arg10[%dma_wait3A] : memref<6416xi32, #tpu.memory_space<vmem>> -> memref<6400xi32, #tpu.memory_space<vmem>>
        %dma_wait3A_48 = tpu.memref_slice %arg5[%mul3A_24] : memref<1638400xi32, #tpu.memory_space<hbm>> -> memref<6400xi32, #tpu.memory_space<hbm>>
        %dma_wait3A_49 = arith.constant 0 : i32
        %dma_wait3A_50 = tpu.memref_slice %arg10[%dma_wait3A_49] : memref<6416xi32, #tpu.memory_space<vmem>> -> memref<6400xi32, #tpu.memory_space<vmem>>
        %dma_wait3A_51 = tpu.memref_slice %arg5[%mul3A_24] : memref<1638400xi32, #tpu.memory_space<hbm>> -> memref<6400xi32, #tpu.memory_space<hbm>>
        tpu.wait_dma2 semaphore(%run_scoped3A : memref<!tpu.dma_semaphore, #tpu.memory_space<semaphore_mem>>) src(%dma_wait3A_51 : memref<6400xi32, #tpu.memory_space<hbm>>) dst(%dma_wait3A_50 : memref<6400xi32, #tpu.memory_space<vmem>>)
        tpu.yield
      }) : () -> ()
      %scan3A_25 = arith.constant 0 : i32
      %scan3A_26 = arith.constant 0 : i32
      %scan3A_27 = arith.constant 256 : i32
      %scan3A_28 = arith.addi %scan3A_26, %scan3A_27 : i32
      %scan3A_29 = arith.constant 1 : i32
      %scan3A_30 = scf.for %scan3A_42 = %scan3A_26 to %scan3A_28 step %scan3A_29 iter_args(%scan3A_43 = %scan3A_25) -> (i32)  : i32 {
        %mul3A_44 = arith.constant 8 : i32
        %mul3A_45 = arith.muli %scan3A_42, %mul3A_44 : i32
        %add3A_46 = arith.constant 0 : i32
        %add3A_47 = arith.addi %mul3A_45, %add3A_46 : i32
        %mul3A_48 = arith.constant 16 : i32
        %mul3A_49 = arith.muli %add3A_47, %mul3A_48 : i32
        %swap3A = arith.index_cast %mul3A_49 : i32 to index
        %swap3A_50 = tpu.vector_load %arg11[%swap3A] {strides = array<i32>} : memref<32768xf32, #tpu.memory_space<vmem>>, vector<16xf32>,
        tpu.vector_store %arg11[%swap3A], %broadcast_in_dim3A_3 {strides = array<i32>} : memref<32768xf32, #tpu.memory_space<vmem>>, vector<16xf32>,
        %mul3A_51 = arith.constant 8 : i32
        %mul3A_52 = arith.muli %scan3A_42, %mul3A_51 : i32
        %add3A_53 = arith.constant 1 : i32
        %add3A_54 = arith.addi %mul3A_52, %add3A_53 : i32
        %mul3A_55 = arith.constant 16 : i32
        %mul3A_56 = arith.muli %add3A_54, %mul3A_55 : i32
        %swap3A_57 = arith.index_cast %mul3A_56 : i32 to index
        %swap3A_58 = tpu.vector_load %arg11[%swap3A_57] {strides = array<i32>} : memref<32768xf32, #tpu.memory_space<vmem>>, vector<16xf32>,
        tpu.vector_store %arg11[%swap3A_57], %broadcast_in_dim3A_3 {strides = array<i32>} : memref<32768xf32, #tpu.memory_space<vmem>>, vector<16xf32>,
        %mul3A_59 = arith.constant 8 : i32
        %mul3A_60 = arith.muli %scan3A_42, %mul3A_59 : i32
        %add3A_61 = arith.constant 2 : i32
        %add3A_62 = arith.addi %mul3A_60, %add3A_61 : i32
        %mul3A_63 = arith.constant 16 : i32
        %mul3A_64 = arith.muli %add3A_62, %mul3A_63 : i32
        %swap3A_65 = arith.index_cast %mul3A_64 : i32 to index
        %swap3A_66 = tpu.vector_load %arg11[%swap3A_65] {strides = array<i32>} : memref<32768xf32, #tpu.memory_space<vmem>>, vector<16xf32>,
        tpu.vector_store %arg11[%swap3A_65], %broadcast_in_dim3A_3 {strides = array<i32>} : memref<32768xf32, #tpu.memory_space<vmem>>, vector<16xf32>,
        %mul3A_67 = arith.constant 8 : i32
        %mul3A_68 = arith.muli %scan3A_42, %mul3A_67 : i32
        %add3A_69 = arith.constant 3 : i32
        %add3A_70 = arith.addi %mul3A_68, %add3A_69 : i32
        %mul3A_71 = arith.constant 16 : i32
        %mul3A_72 = arith.muli %add3A_70, %mul3A_71 : i32
        %swap3A_73 = arith.index_cast %mul3A_72 : i32 to index
        %swap3A_74 = tpu.vector_load %arg11[%swap3A_73] {strides = array<i32>} : memref<32768xf32, #tpu.memory_space<vmem>>, vector<16xf32>,
        tpu.vector_store %arg11[%swap3A_73], %broadcast_in_dim3A_3 {strides = array<i32>} : memref<32768xf32, #tpu.memory_space<vmem>>, vector<16xf32>,
        %mul3A_75 = arith.constant 8 : i32
        %mul3A_76 = arith.muli %scan3A_42, %mul3A_75 : i32
        %add3A_77 = arith.constant 4 : i32
        %add3A_78 = arith.addi %mul3A_76, %add3A_77 : i32
        %mul3A_79 = arith.constant 16 : i32
        %mul3A_80 = arith.muli %add3A_78, %mul3A_79 : i32
        %swap3A_81 = arith.index_cast %mul3A_80 : i32 to index
        %swap3A_82 = tpu.vector_load %arg11[%swap3A_81] {strides = array<i32>} : memref<32768xf32, #tpu.memory_space<vmem>>, vector<16xf32>,
        tpu.vector_store %arg11[%swap3A_81], %broadcast_in_dim3A_3 {strides = array<i32>} : memref<32768xf32, #tpu.memory_space<vmem>>, vector<16xf32>,
        %mul3A_83 = arith.constant 8 : i32
        %mul3A_84 = arith.muli %scan3A_42, %mul3A_83 : i32
        %add3A_85 = arith.constant 5 : i32
        %add3A_86 = arith.addi %mul3A_84, %add3A_85 : i32
        %mul3A_87 = arith.constant 16 : i32
        %mul3A_88 = arith.muli %add3A_86, %mul3A_87 : i32
        %swap3A_89 = arith.index_cast %mul3A_88 : i32 to index
        %swap3A_90 = tpu.vector_load %arg11[%swap3A_89] {strides = array<i32>} : memref<32768xf32, #tpu.memory_space<vmem>>, vector<16xf32>,
        tpu.vector_store %arg11[%swap3A_89], %broadcast_in_dim3A_3 {strides = array<i32>} : memref<32768xf32, #tpu.memory_space<vmem>>, vector<16xf32>,
        %mul3A_91 = arith.constant 8 : i32
        %mul3A_92 = arith.muli %scan3A_42, %mul3A_91 : i32
        %add3A_93 = arith.constant 6 : i32
        %add3A_94 = arith.addi %mul3A_92, %add3A_93 : i32
        %mul3A_95 = arith.constant 16 : i32
        %mul3A_96 = arith.muli %add3A_94, %mul3A_95 : i32
        %swap3A_97 = arith.index_cast %mul3A_96 : i32 to index
        %swap3A_98 = tpu.vector_load %arg11[%swap3A_97] {strides = array<i32>} : memref<32768xf32, #tpu.memory_space<vmem>>, vector<16xf32>,
        tpu.vector_store %arg11[%swap3A_97], %broadcast_in_dim3A_3 {strides = array<i32>} : memref<32768xf32, #tpu.memory_space<vmem>>, vector<16xf32>,
        %mul3A_99 = arith.constant 8 : i32
        %mul3A_100 = arith.muli %scan3A_42, %mul3A_99 : i32
        %add3A_101 = arith.constant 7 : i32
        %add3A_102 = arith.addi %mul3A_100, %add3A_101 : i32
        %mul3A_103 = arith.constant 16 : i32
        %mul3A_104 = arith.muli %add3A_102, %mul3A_103 : i32
        %swap3A_105 = arith.index_cast %mul3A_104 : i32 to index
        %swap3A_106 = tpu.vector_load %arg11[%swap3A_105] {strides = array<i32>} : memref<32768xf32, #tpu.memory_space<vmem>>, vector<16xf32>,
        tpu.vector_store %arg11[%swap3A_105], %broadcast_in_dim3A_3 {strides = array<i32>} : memref<32768xf32, #tpu.memory_space<vmem>>, vector<16xf32>,
        %scan3A_107 = arith.constant 0 : i32
        scf.yield %scan3A_107 : i32
      }
      %scan3A_31 = arith.constant 256 : i32
      %scan3A_32 = arith.constant 0 : i32
      %scan3A_33 = arith.constant 0 : i32
      %scan3A_34 = arith.constant 64 : i32
      %scan3A_35 = arith.addi %scan3A_33, %scan3A_34 : i32
      %scan3A_36 = arith.constant 1 : i32
      %scan3A_37 = scf.for %scan3A_42 = %scan3A_33 to %scan3A_35 step %scan3A_36 iter_args(%scan3A_43 = %scan3A_32) -> (i32)  : i32 {
        %mul3A_44 = arith.constant 100 : i32
        %mul3A_45 = arith.muli %scan3A_42, %mul3A_44 : i32
        %mul3A_46 = arith.constant 512 : i32
        %mul3A_47 = arith.muli %scan3A_42, %mul3A_46 : i32
        %add3A_48 = arith.constant 0 : i32
        %add3A_49 = arith.addi %mul3A_45, %add3A_48 : i32
        %add3A_50 = vector.broadcast %add3A_49 : i32 to vector<16xi32>
        %add3A_51 = arith.addi %add3A_50, %iota3A : vector<16xi32>
        %gather3A = tpu.vector_load_idx %arg7[%add3A_51] : memref<6416xf32, #tpu.memory_space<vmem>>[vector<16xi32>], vector<16xf32>,
        %gather3A_52 = tpu.vector_load_idx %arg8[%add3A_51] : memref<6416xf32, #tpu.memory_space<vmem>>[vector<16xi32>], vector<16xf32>,
        %gather3A_53 = tpu.vector_load_idx %arg9[%add3A_51] : memref<6416xf32, #tpu.memory_space<vmem>>[vector<16xi32>], vector<16xf32>,
        %gather3A_54 = tpu.vector_load_idx %arg10[%add3A_51] : memref<6416xi32, #tpu.memory_space<vmem>>[vector<16xi32>], vector<16xi32>,
        %lt3A = arith.constant 8 : i32
        %lt3A_55 = vector.broadcast %lt3A : i32 to vector<16xi32>
        %lt3A_56 = arith.cmpi slt, %gather3A_54, %lt3A_55 : vector<16xi32>
        %jit3A = arith.constant 0 : i32
        %broadcast_in_dim3A_57 = vector.broadcast %jit3A : i32 to vector<16xi32>
        %select_n3A = arith.select %lt3A_56, %gather3A_54, %broadcast_in_dim3A_57 : vector<16xi1>, vector<16xi32>
        %mul3A_58 = arith.constant 64 : i32
        %mul3A_59 = vector.broadcast %mul3A_58 : i32 to vector<16xi32>
        %mul3A_60 = arith.muli %select_n3A, %mul3A_59 : vector<16xi32>
        %add3A_61 = vector.broadcast %mul3A_47 : i32 to vector<16xi32>
        %add3A_62 = arith.addi %add3A_61, %mul3A_60 : vector<16xi32>
        %add3A_63 = arith.addi %add3A_62, %iota3A : vector<16xi32>
        tpu.vector_store_idx %arg11[%add3A_63], %gather3A masked %lt3A_56 {add = true} : memref<32768xf32, #tpu.memory_space<vmem>>[vector<16xi32>], vector<16xf32>, vector<16xi1>
        %add3A_64 = arith.constant 16 : i32
        %add3A_65 = vector.broadcast %add3A_64 : i32 to vector<16xi32>
        %add3A_66 = arith.addi %add3A_63, %add3A_65 : vector<16xi32>
        tpu.vector_store_idx %arg11[%add3A_66], %gather3A_52 masked %lt3A_56 {add = true} : memref<32768xf32, #tpu.memory_space<vmem>>[vector<16xi32>], vector<16xf32>, vector<16xi1>
        %add3A_67 = arith.constant 32 : i32
        %add3A_68 = vector.broadcast %add3A_67 : i32 to vector<16xi32>
        %add3A_69 = arith.addi %add3A_63, %add3A_68 : vector<16xi32>
        tpu.vector_store_idx %arg11[%add3A_69], %gather3A_53 masked %lt3A_56 {add = true} : memref<32768xf32, #tpu.memory_space<vmem>>[vector<16xi32>], vector<16xf32>, vector<16xi1>
        %add3A_70 = arith.constant 48 : i32
        %add3A_71 = vector.broadcast %add3A_70 : i32 to vector<16xi32>
        %add3A_72 = arith.addi %add3A_63, %add3A_71 : vector<16xi32>
        tpu.vector_store_idx %arg11[%add3A_72], %broadcast_in_dim3A_5 masked %lt3A_56 {add = true} : memref<32768xf32, #tpu.memory_space<vmem>>[vector<16xi32>], vector<16xf32>, vector<16xi1>
        %add3A_73 = arith.constant 16 : i32
        %add3A_74 = arith.addi %mul3A_45, %add3A_73 : i32
        %add3A_75 = vector.broadcast %add3A_74 : i32 to vector<16xi32>
        %add3A_76 = arith.addi %add3A_75, %iota3A : vector<16xi32>
        %gather3A_77 = tpu.vector_load_idx %arg7[%add3A_76] : memref<6416xf32, #tpu.memory_space<vmem>>[vector<16xi32>], vector<16xf32>,
        %gather3A_78 = tpu.vector_load_idx %arg8[%add3A_76] : memref<6416xf32, #tpu.memory_space<vmem>>[vector<16xi32>], vector<16xf32>,
        %gather3A_79 = tpu.vector_load_idx %arg9[%add3A_76] : memref<6416xf32, #tpu.memory_space<vmem>>[vector<16xi32>], vector<16xf32>,
        %gather3A_80 = tpu.vector_load_idx %arg10[%add3A_76] : memref<6416xi32, #tpu.memory_space<vmem>>[vector<16xi32>], vector<16xi32>,
        %lt3A_81 = arith.constant 8 : i32
        %lt3A_82 = vector.broadcast %lt3A_81 : i32 to vector<16xi32>
        %lt3A_83 = arith.cmpi slt, %gather3A_80, %lt3A_82 : vector<16xi32>
        %jit3A_84 = arith.constant 0 : i32
        %broadcast_in_dim3A_85 = vector.broadcast %jit3A_84 : i32 to vector<16xi32>
        %select_n3A_86 = arith.select %lt3A_83, %gather3A_80, %broadcast_in_dim3A_85 : vector<16xi1>, vector<16xi32>
        %mul3A_87 = arith.constant 64 : i32
        %mul3A_88 = vector.broadcast %mul3A_87 : i32 to vector<16xi32>
        %mul3A_89 = arith.muli %select_n3A_86, %mul3A_88 : vector<16xi32>
        %add3A_90 = vector.broadcast %mul3A_47 : i32 to vector<16xi32>
        %add3A_91 = arith.addi %add3A_90, %mul3A_89 : vector<16xi32>
        %add3A_92 = arith.addi %add3A_91, %iota3A : vector<16xi32>
        tpu.vector_store_idx %arg11[%add3A_92], %gather3A_77 masked %lt3A_83 {add = true} : memref<32768xf32, #tpu.memory_space<vmem>>[vector<16xi32>], vector<16xf32>, vector<16xi1>
        %add3A_93 = arith.constant 16 : i32
        %add3A_94 = vector.broadcast %add3A_93 : i32 to vector<16xi32>
        %add3A_95 = arith.addi %add3A_92, %add3A_94 : vector<16xi32>
        tpu.vector_store_idx %arg11[%add3A_95], %gather3A_78 masked %lt3A_83 {add = true} : memref<32768xf32, #tpu.memory_space<vmem>>[vector<16xi32>], vector<16xf32>, vector<16xi1>
        %add3A_96 = arith.constant 32 : i32
        %add3A_97 = vector.broadcast %add3A_96 : i32 to vector<16xi32>
        %add3A_98 = arith.addi %add3A_92, %add3A_97 : vector<16xi32>
        tpu.vector_store_idx %arg11[%add3A_98], %gather3A_79 masked %lt3A_83 {add = true} : memref<32768xf32, #tpu.memory_space<vmem>>[vector<16xi32>], vector<16xf32>, vector<16xi1>
        %add3A_99 = arith.constant 48 : i32
        %add3A_100 = vector.broadcast %add3A_99 : i32 to vector<16xi32>
        %add3A_101 = arith.addi %add3A_92, %add3A_100 : vector<16xi32>
        tpu.vector_store_idx %arg11[%add3A_101], %broadcast_in_dim3A_5 masked %lt3A_83 {add = true} : memref<32768xf32, #tpu.memory_space<vmem>>[vector<16xi32>], vector<16xf32>, vector<16xi1>
        %add3A_102 = arith.constant 32 : i32
        %add3A_103 = arith.addi %mul3A_45, %add3A_102 : i32
        %add3A_104 = vector.broadcast %add3A_103 : i32 to vector<16xi32>
        %add3A_105 = arith.addi %add3A_104, %iota3A : vector<16xi32>
        %gather3A_106 = tpu.vector_load_idx %arg7[%add3A_105] : memref<6416xf32, #tpu.memory_space<vmem>>[vector<16xi32>], vector<16xf32>,
        %gather3A_107 = tpu.vector_load_idx %arg8[%add3A_105] : memref<6416xf32, #tpu.memory_space<vmem>>[vector<16xi32>], vector<16xf32>,
        %gather3A_108 = tpu.vector_load_idx %arg9[%add3A_105] : memref<6416xf32, #tpu.memory_space<vmem>>[vector<16xi32>], vector<16xf32>,
        %gather3A_109 = tpu.vector_load_idx %arg10[%add3A_105] : memref<6416xi32, #tpu.memory_space<vmem>>[vector<16xi32>], vector<16xi32>,
        %lt3A_110 = arith.constant 8 : i32
        %lt3A_111 = vector.broadcast %lt3A_110 : i32 to vector<16xi32>
        %lt3A_112 = arith.cmpi slt, %gather3A_109, %lt3A_111 : vector<16xi32>
        %jit3A_113 = arith.constant 0 : i32
        %broadcast_in_dim3A_114 = vector.broadcast %jit3A_113 : i32 to vector<16xi32>
        %select_n3A_115 = arith.select %lt3A_112, %gather3A_109, %broadcast_in_dim3A_114 : vector<16xi1>, vector<16xi32>
        %mul3A_116 = arith.constant 64 : i32
        %mul3A_117 = vector.broadcast %mul3A_116 : i32 to vector<16xi32>
        %mul3A_118 = arith.muli %select_n3A_115, %mul3A_117 : vector<16xi32>
        %add3A_119 = vector.broadcast %mul3A_47 : i32 to vector<16xi32>
        %add3A_120 = arith.addi %add3A_119, %mul3A_118 : vector<16xi32>
        %add3A_121 = arith.addi %add3A_120, %iota3A : vector<16xi32>
        tpu.vector_store_idx %arg11[%add3A_121], %gather3A_106 masked %lt3A_112 {add = true} : memref<32768xf32, #tpu.memory_space<vmem>>[vector<16xi32>], vector<16xf32>, vector<16xi1>
        %add3A_122 = arith.constant 16 : i32
        %add3A_123 = vector.broadcast %add3A_122 : i32 to vector<16xi32>
        %add3A_124 = arith.addi %add3A_121, %add3A_123 : vector<16xi32>
        tpu.vector_store_idx %arg11[%add3A_124], %gather3A_107 masked %lt3A_112 {add = true} : memref<32768xf32, #tpu.memory_space<vmem>>[vector<16xi32>], vector<16xf32>, vector<16xi1>
        %add3A_125 = arith.constant 32 : i32
        %add3A_126 = vector.broadcast %add3A_125 : i32 to vector<16xi32>
        %add3A_127 = arith.addi %add3A_121, %add3A_126 : vector<16xi32>
        tpu.vector_store_idx %arg11[%add3A_127], %gather3A_108 masked %lt3A_112 {add = true} : memref<32768xf32, #tpu.memory_space<vmem>>[vector<16xi32>], vector<16xf32>, vector<16xi1>
        %add3A_128 = arith.constant 48 : i32
        %add3A_129 = vector.broadcast %add3A_128 : i32 to vector<16xi32>
        %add3A_130 = arith.addi %add3A_121, %add3A_129 : vector<16xi32>
        tpu.vector_store_idx %arg11[%add3A_130], %broadcast_in_dim3A_5 masked %lt3A_112 {add = true} : memref<32768xf32, #tpu.memory_space<vmem>>[vector<16xi32>], vector<16xf32>, vector<16xi1>
        %add3A_131 = arith.constant 48 : i32
        %add3A_132 = arith.addi %mul3A_45, %add3A_131 : i32
        %add3A_133 = vector.broadcast %add3A_132 : i32 to vector<16xi32>
        %add3A_134 = arith.addi %add3A_133, %iota3A : vector<16xi32>
        %gather3A_135 = tpu.vector_load_idx %arg7[%add3A_134] : memref<6416xf32, #tpu.memory_space<vmem>>[vector<16xi32>], vector<16xf32>,
        %gather3A_136 = tpu.vector_load_idx %arg8[%add3A_134] : memref<6416xf32, #tpu.memory_space<vmem>>[vector<16xi32>], vector<16xf32>,
        %gather3A_137 = tpu.vector_load_idx %arg9[%add3A_134] : memref<6416xf32, #tpu.memory_space<vmem>>[vector<16xi32>], vector<16xf32>,
        %gather3A_138 = tpu.vector_load_idx %arg10[%add3A_134] : memref<6416xi32, #tpu.memory_space<vmem>>[vector<16xi32>], vector<16xi32>,
        %lt3A_139 = arith.constant 8 : i32
        %lt3A_140 = vector.broadcast %lt3A_139 : i32 to vector<16xi32>
        %lt3A_141 = arith.cmpi slt, %gather3A_138, %lt3A_140 : vector<16xi32>
        %jit3A_142 = arith.constant 0 : i32
        %broadcast_in_dim3A_143 = vector.broadcast %jit3A_142 : i32 to vector<16xi32>
        %select_n3A_144 = arith.select %lt3A_141, %gather3A_138, %broadcast_in_dim3A_143 : vector<16xi1>, vector<16xi32>
        %mul3A_145 = arith.constant 64 : i32
        %mul3A_146 = vector.broadcast %mul3A_145 : i32 to vector<16xi32>
        %mul3A_147 = arith.muli %select_n3A_144, %mul3A_146 : vector<16xi32>
        %add3A_148 = vector.broadcast %mul3A_47 : i32 to vector<16xi32>
        %add3A_149 = arith.addi %add3A_148, %mul3A_147 : vector<16xi32>
        %add3A_150 = arith.addi %add3A_149, %iota3A : vector<16xi32>
        tpu.vector_store_idx %arg11[%add3A_150], %gather3A_135 masked %lt3A_141 {add = true} : memref<32768xf32, #tpu.memory_space<vmem>>[vector<16xi32>], vector<16xf32>, vector<16xi1>
        %add3A_151 = arith.constant 16 : i32
        %add3A_152 = vector.broadcast %add3A_151 : i32 to vector<16xi32>
        %add3A_153 = arith.addi %add3A_150, %add3A_152 : vector<16xi32>
        tpu.vector_store_idx %arg11[%add3A_153], %gather3A_136 masked %lt3A_141 {add = true} : memref<32768xf32, #tpu.memory_space<vmem>>[vector<16xi32>], vector<16xf32>, vector<16xi1>
        %add3A_154 = arith.constant 32 : i32
        %add3A_155 = vector.broadcast %add3A_154 : i32 to vector<16xi32>
        %add3A_156 = arith.addi %add3A_150, %add3A_155 : vector<16xi32>
        tpu.vector_store_idx %arg11[%add3A_156], %gather3A_137 masked %lt3A_141 {add = true} : memref<32768xf32, #tpu.memory_space<vmem>>[vector<16xi32>], vector<16xf32>, vector<16xi1>
        %add3A_157 = arith.constant 48 : i32
        %add3A_158 = vector.broadcast %add3A_157 : i32 to vector<16xi32>
        %add3A_159 = arith.addi %add3A_150, %add3A_158 : vector<16xi32>
        tpu.vector_store_idx %arg11[%add3A_159], %broadcast_in_dim3A_5 masked %lt3A_141 {add = true} : memref<32768xf32, #tpu.memory_space<vmem>>[vector<16xi32>], vector<16xf32>, vector<16xi1>
        %add3A_160 = arith.constant 64 : i32
        %add3A_161 = arith.addi %mul3A_45, %add3A_160 : i32
        %add3A_162 = vector.broadcast %add3A_161 : i32 to vector<16xi32>
        %add3A_163 = arith.addi %add3A_162, %iota3A : vector<16xi32>
        %gather3A_164 = tpu.vector_load_idx %arg7[%add3A_163] : memref<6416xf32, #tpu.memory_space<vmem>>[vector<16xi32>], vector<16xf32>,
        %gather3A_165 = tpu.vector_load_idx %arg8[%add3A_163] : memref<6416xf32, #tpu.memory_space<vmem>>[vector<16xi32>], vector<16xf32>,
        %gather3A_166 = tpu.vector_load_idx %arg9[%add3A_163] : memref<6416xf32, #tpu.memory_space<vmem>>[vector<16xi32>], vector<16xf32>,
        %gather3A_167 = tpu.vector_load_idx %arg10[%add3A_163] : memref<6416xi32, #tpu.memory_space<vmem>>[vector<16xi32>], vector<16xi32>,
        %lt3A_168 = arith.constant 8 : i32
        %lt3A_169 = vector.broadcast %lt3A_168 : i32 to vector<16xi32>
        %lt3A_170 = arith.cmpi slt, %gather3A_167, %lt3A_169 : vector<16xi32>
        %jit3A_171 = arith.constant 0 : i32
        %broadcast_in_dim3A_172 = vector.broadcast %jit3A_171 : i32 to vector<16xi32>
        %select_n3A_173 = arith.select %lt3A_170, %gather3A_167, %broadcast_in_dim3A_172 : vector<16xi1>, vector<16xi32>
        %mul3A_174 = arith.constant 64 : i32
        %mul3A_175 = vector.broadcast %mul3A_174 : i32 to vector<16xi32>
        %mul3A_176 = arith.muli %select_n3A_173, %mul3A_175 : vector<16xi32>
        %add3A_177 = vector.broadcast %mul3A_47 : i32 to vector<16xi32>
        %add3A_178 = arith.addi %add3A_177, %mul3A_176 : vector<16xi32>
        %add3A_179 = arith.addi %add3A_178, %iota3A : vector<16xi32>
        tpu.vector_store_idx %arg11[%add3A_179], %gather3A_164 masked %lt3A_170 {add = true} : memref<32768xf32, #tpu.memory_space<vmem>>[vector<16xi32>], vector<16xf32>, vector<16xi1>
        %add3A_180 = arith.constant 16 : i32
        %add3A_181 = vector.broadcast %add3A_180 : i32 to vector<16xi32>
        %add3A_182 = arith.addi %add3A_179, %add3A_181 : vector<16xi32>
        tpu.vector_store_idx %arg11[%add3A_182], %gather3A_165 masked %lt3A_170 {add = true} : memref<32768xf32, #tpu.memory_space<vmem>>[vector<16xi32>], vector<16xf32>, vector<16xi1>
        %add3A_183 = arith.constant 32 : i32
        %add3A_184 = vector.broadcast %add3A_183 : i32 to vector<16xi32>
        %add3A_185 = arith.addi %add3A_179, %add3A_184 : vector<16xi32>
        tpu.vector_store_idx %arg11[%add3A_185], %gather3A_166 masked %lt3A_170 {add = true} : memref<32768xf32, #tpu.memory_space<vmem>>[vector<16xi32>], vector<16xf32>, vector<16xi1>
        %add3A_186 = arith.constant 48 : i32
        %add3A_187 = vector.broadcast %add3A_186 : i32 to vector<16xi32>
        %add3A_188 = arith.addi %add3A_179, %add3A_187 : vector<16xi32>
        tpu.vector_store_idx %arg11[%add3A_188], %broadcast_in_dim3A_5 masked %lt3A_170 {add = true} : memref<32768xf32, #tpu.memory_space<vmem>>[vector<16xi32>], vector<16xf32>, vector<16xi1>
        %add3A_189 = arith.constant 80 : i32
        %add3A_190 = arith.addi %mul3A_45, %add3A_189 : i32
        %add3A_191 = vector.broadcast %add3A_190 : i32 to vector<16xi32>
        %add3A_192 = arith.addi %add3A_191, %iota3A : vector<16xi32>
        %gather3A_193 = tpu.vector_load_idx %arg7[%add3A_192] : memref<6416xf32, #tpu.memory_space<vmem>>[vector<16xi32>], vector<16xf32>,
        %gather3A_194 = tpu.vector_load_idx %arg8[%add3A_192] : memref<6416xf32, #tpu.memory_space<vmem>>[vector<16xi32>], vector<16xf32>,
        %gather3A_195 = tpu.vector_load_idx %arg9[%add3A_192] : memref<6416xf32, #tpu.memory_space<vmem>>[vector<16xi32>], vector<16xf32>,
        %gather3A_196 = tpu.vector_load_idx %arg10[%add3A_192] : memref<6416xi32, #tpu.memory_space<vmem>>[vector<16xi32>], vector<16xi32>,
        %lt3A_197 = arith.constant 8 : i32
        %lt3A_198 = vector.broadcast %lt3A_197 : i32 to vector<16xi32>
        %lt3A_199 = arith.cmpi slt, %gather3A_196, %lt3A_198 : vector<16xi32>
        %jit3A_200 = arith.constant 0 : i32
        %broadcast_in_dim3A_201 = vector.broadcast %jit3A_200 : i32 to vector<16xi32>
        %select_n3A_202 = arith.select %lt3A_199, %gather3A_196, %broadcast_in_dim3A_201 : vector<16xi1>, vector<16xi32>
        %mul3A_203 = arith.constant 64 : i32
        %mul3A_204 = vector.broadcast %mul3A_203 : i32 to vector<16xi32>
        %mul3A_205 = arith.muli %select_n3A_202, %mul3A_204 : vector<16xi32>
        %add3A_206 = vector.broadcast %mul3A_47 : i32 to vector<16xi32>
        %add3A_207 = arith.addi %add3A_206, %mul3A_205 : vector<16xi32>
        %add3A_208 = arith.addi %add3A_207, %iota3A : vector<16xi32>
        tpu.vector_store_idx %arg11[%add3A_208], %gather3A_193 masked %lt3A_199 {add = true} : memref<32768xf32, #tpu.memory_space<vmem>>[vector<16xi32>], vector<16xf32>, vector<16xi1>
        %add3A_209 = arith.constant 16 : i32
        %add3A_210 = vector.broadcast %add3A_209 : i32 to vector<16xi32>
        %add3A_211 = arith.addi %add3A_208, %add3A_210 : vector<16xi32>
        tpu.vector_store_idx %arg11[%add3A_211], %gather3A_194 masked %lt3A_199 {add = true} : memref<32768xf32, #tpu.memory_space<vmem>>[vector<16xi32>], vector<16xf32>, vector<16xi1>
        %add3A_212 = arith.constant 32 : i32
        %add3A_213 = vector.broadcast %add3A_212 : i32 to vector<16xi32>
        %add3A_214 = arith.addi %add3A_208, %add3A_213 : vector<16xi32>
        tpu.vector_store_idx %arg11[%add3A_214], %gather3A_195 masked %lt3A_199 {add = true} : memref<32768xf32, #tpu.memory_space<vmem>>[vector<16xi32>], vector<16xf32>, vector<16xi1>
        %add3A_215 = arith.constant 48 : i32
        %add3A_216 = vector.broadcast %add3A_215 : i32 to vector<16xi32>
        %add3A_217 = arith.addi %add3A_208, %add3A_216 : vector<16xi32>
        tpu.vector_store_idx %arg11[%add3A_217], %broadcast_in_dim3A_5 masked %lt3A_199 {add = true} : memref<32768xf32, #tpu.memory_space<vmem>>[vector<16xi32>], vector<16xf32>, vector<16xi1>
        %add3A_218 = arith.constant 96 : i32
        %add3A_219 = arith.addi %mul3A_45, %add3A_218 : i32
        %add3A_220 = vector.broadcast %add3A_219 : i32 to vector<16xi32>
        %add3A_221 = arith.addi %add3A_220, %iota3A : vector<16xi32>
        %gather3A_222 = tpu.vector_load_idx %arg7[%add3A_221] : memref<6416xf32, #tpu.memory_space<vmem>>[vector<16xi32>], vector<16xf32>,
        %gather3A_223 = tpu.vector_load_idx %arg8[%add3A_221] : memref<6416xf32, #tpu.memory_space<vmem>>[vector<16xi32>], vector<16xf32>,
        %gather3A_224 = tpu.vector_load_idx %arg9[%add3A_221] : memref<6416xf32, #tpu.memory_space<vmem>>[vector<16xi32>], vector<16xf32>,
        %gather3A_225 = tpu.vector_load_idx %arg10[%add3A_221] : memref<6416xi32, #tpu.memory_space<vmem>>[vector<16xi32>], vector<16xi32>,
        %lt3A_226 = arith.constant 8 : i32
        %lt3A_227 = vector.broadcast %lt3A_226 : i32 to vector<16xi32>
        %lt3A_228 = arith.cmpi slt, %gather3A_225, %lt3A_227 : vector<16xi32>
        %add3A_229 = arith.constant 96 : i32
        %add3A_230 = vector.broadcast %add3A_229 : i32 to vector<16xi32>
        %add3A_231 = arith.addi %add3A_230, %iota3A : vector<16xi32>
        %lt3A_232 = arith.constant 100 : i32
        %lt3A_233 = vector.broadcast %lt3A_232 : i32 to vector<16xi32>
        %lt3A_234 = arith.cmpi slt, %add3A_231, %lt3A_233 : vector<16xi32>
        %and3A = arith.andi %lt3A_228, %lt3A_234 : vector<16xi1>
        %jit3A_235 = arith.constant 0 : i32
        %broadcast_in_dim3A_236 = vector.broadcast %jit3A_235 : i32 to vector<16xi32>
        %select_n3A_237 = arith.select %and3A, %gather3A_225, %broadcast_in_dim3A_236 : vector<16xi1>, vector<16xi32>
        %mul3A_238 = arith.constant 64 : i32
        %mul3A_239 = vector.broadcast %mul3A_238 : i32 to vector<16xi32>
        %mul3A_240 = arith.muli %select_n3A_237, %mul3A_239 : vector<16xi32>
        %add3A_241 = vector.broadcast %mul3A_47 : i32 to vector<16xi32>
        %add3A_242 = arith.addi %add3A_241, %mul3A_240 : vector<16xi32>
        %add3A_243 = arith.addi %add3A_242, %iota3A : vector<16xi32>
        tpu.vector_store_idx %arg11[%add3A_243], %gather3A_222 masked %and3A {add = true} : memref<32768xf32, #tpu.memory_space<vmem>>[vector<16xi32>], vector<16xf32>, vector<16xi1>
        %add3A_244 = arith.constant 16 : i32
        %add3A_245 = vector.broadcast %add3A_244 : i32 to vector<16xi32>
        %add3A_246 = arith.addi %add3A_243, %add3A_245 : vector<16xi32>
        tpu.vector_store_idx %arg11[%add3A_246], %gather3A_223 masked %and3A {add = true} : memref<32768xf32, #tpu.memory_space<vmem>>[vector<16xi32>], vector<16xf32>, vector<16xi1>
        %add3A_247 = arith.constant 32 : i32
        %add3A_248 = vector.broadcast %add3A_247 : i32 to vector<16xi32>
        %add3A_249 = arith.addi %add3A_243, %add3A_248 : vector<16xi32>
        tpu.vector_store_idx %arg11[%add3A_249], %gather3A_224 masked %and3A {add = true} : memref<32768xf32, #tpu.memory_space<vmem>>[vector<16xi32>], vector<16xf32>, vector<16xi1>
        %add3A_250 = arith.constant 48 : i32
        %add3A_251 = vector.broadcast %add3A_250 : i32 to vector<16xi32>
        %add3A_252 = arith.addi %add3A_243, %add3A_251 : vector<16xi32>
        tpu.vector_store_idx %arg11[%add3A_252], %broadcast_in_dim3A_5 masked %and3A {add = true} : memref<32768xf32, #tpu.memory_space<vmem>>[vector<16xi32>], vector<16xf32>, vector<16xi1>
        %scan3A_253 = arith.constant 0 : i32
        scf.yield %scan3A_253 : i32
      }
      %scan3A_38 = arith.constant 64 : i32
      %mul3A_39 = arith.constant 512 : i32
      %mul3A_40 = arith.muli %add3A_16, %mul3A_39 : i32
      "tpu.region"() ({
        %run_scoped3A = tpu.sem_alloc : memref<!tpu.dma_semaphore, #tpu.memory_space<semaphore_mem>>
        %dma_start3A = tpu.memref_slice %arg6[%mul3A_40] : memref<8388608xf32, #tpu.memory_space<hbm>> -> memref<32768xf32, #tpu.memory_space<hbm>>
        %dma_start3A_42 = tpu.memref_slice %arg6[%mul3A_40] : memref<8388608xf32, #tpu.memory_space<hbm>> -> memref<32768xf32, #tpu.memory_space<hbm>>
        tpu.enqueue_dma source(%arg11 : memref<32768xf32, #tpu.memory_space<vmem>>) target(%dma_start3A_42 : memref<32768xf32, #tpu.memory_space<hbm>>) target_semaphore(%run_scoped3A : memref<!tpu.dma_semaphore, #tpu.memory_space<semaphore_mem>>)
        %dma_wait3A = tpu.memref_slice %arg6[%mul3A_40] : memref<8388608xf32, #tpu.memory_space<hbm>> -> memref<32768xf32, #tpu.memory_space<hbm>>
        %dma_wait3A_43 = tpu.memref_slice %arg6[%mul3A_40] : memref<8388608xf32, #tpu.memory_space<hbm>> -> memref<32768xf32, #tpu.memory_space<hbm>>
        tpu.wait_dma2 semaphore(%run_scoped3A : memref<!tpu.dma_semaphore, #tpu.memory_space<semaphore_mem>>) src(%arg11 : memref<32768xf32, #tpu.memory_space<vmem>>) dst(%dma_wait3A_43 : memref<32768xf32, #tpu.memory_space<hbm>>)
        tpu.yield
      }) : () -> ()
      %scan3A_41 = arith.constant 0 : i32
      scf.yield %scan3A_41 : i32
    }
    %scan3A_11 = arith.constant 8 : i32
    return
  }
}

module attributes {stable_mosaic.version = 14 : i64} {
  func.func @_feat_body(%arg0: i32, %arg1: memref<256x2000xf32, #tpu.memory_space<vmem>>, %arg2: memref<256x100xf32, #tpu.memory_space<vmem>>, %arg3: memref<256x100xf32, #tpu.memory_space<vmem>>, %arg4: memref<256x100xf32, #tpu.memory_space<vmem>>, %arg5: memref<256x100xi32, #tpu.memory_space<vmem>>) attributes {dimension_semantics = [#tpu.dimension_semantics<arbitrary>], iteration_bounds = array<i64: 64>, scalar_prefetch = 0 : i64, scratch_operands = 0 : i64, tpu.core_type = #tpu.core_type<tc>, window_params = [{transform_indices = @transform_0, window_bounds = array<i64: 256, 2000>}, {transform_indices = @transform_1, window_bounds = array<i64: 256, 100>}, {transform_indices = @transform_2, window_bounds = array<i64: 256, 100>}, {transform_indices = @transform_3, window_bounds = array<i64: 256, 100>}, {transform_indices = @transform_4, window_bounds = array<i64: 256, 100>}]} {
    %get3A = arith.constant 0 : index
    %get3A_0 = arith.constant 0 : index
    %get3A_1 = vector.load %arg1[%get3A, %get3A_0] : memref<256x2000xf32, #tpu.memory_space<vmem>>, vector<256x2000xf32>
    %iota3A = tpu.iota {dimensions = array<i32: 0>} : vector<2000x100xi32>
    %iota3A_2 = tpu.iota {dimensions = array<i32: 1>} : vector<2000x100xi32>
    %jit3A = arith.constant 20 : i32
    %div3A = vector.broadcast %jit3A : i32 to vector<2000x100xi32>
    %div3A_3 = arith.divsi %iota3A, %div3A : vector<2000x100xi32>
    %sign3A = arith.constant 0 : i32
    %sign3A_4 = vector.broadcast %sign3A : i32 to vector<2000x100xi32>
    %sign3A_5 = arith.cmpi sgt, %iota3A, %sign3A_4 : vector<2000x100xi32>
    %sign3A_6 = arith.extui %sign3A_5 : vector<2000x100xi1> to vector<2000x100xi32>
    %sign3A_7 = arith.constant 0 : i32
    %sign3A_8 = vector.broadcast %sign3A_7 : i32 to vector<2000x100xi32>
    %sign3A_9 = arith.cmpi slt, %iota3A, %sign3A_8 : vector<2000x100xi32>
    %sign3A_10 = arith.extui %sign3A_9 : vector<2000x100xi1> to vector<2000x100xi32>
    %sign3A_11 = arith.subi %sign3A_6, %sign3A_10 : vector<2000x100xi32>
    %sign3A_12 = arith.constant 0 : i32
    %sign3A_13 = arith.cmpi sgt, %jit3A, %sign3A_12 : i32
    %sign3A_14 = arith.extui %sign3A_13 : i1 to i32
    %sign3A_15 = arith.constant 0 : i32
    %sign3A_16 = arith.cmpi slt, %jit3A, %sign3A_15 : i32
    %sign3A_17 = arith.extui %sign3A_16 : i1 to i32
    %sign3A_18 = arith.subi %sign3A_14, %sign3A_17 : i32
    %ne3A = vector.broadcast %sign3A_18 : i32 to vector<2000x100xi32>
    %ne3A_19 = arith.cmpi ne, %sign3A_11, %ne3A : vector<2000x100xi32>
    %rem3A = vector.broadcast %jit3A : i32 to vector<2000x100xi32>
    %rem3A_20 = arith.remsi %iota3A, %rem3A : vector<2000x100xi32>
    %ne3A_21 = arith.constant 0 : i32
    %ne3A_22 = vector.broadcast %ne3A_21 : i32 to vector<2000x100xi32>
    %ne3A_23 = arith.cmpi ne, %rem3A_20, %ne3A_22 : vector<2000x100xi32>
    %and3A = arith.andi %ne3A_19, %ne3A_23 : vector<2000x100xi1>
    %sub3A = arith.constant 1 : i32
    %sub3A_24 = vector.broadcast %sub3A : i32 to vector<2000x100xi32>
    %sub3A_25 = arith.subi %div3A_3, %sub3A_24 : vector<2000x100xi32>
    %select_n3A = arith.select %and3A, %sub3A_25, %div3A_3 : vector<2000x100xi1>, vector<2000x100xi32>
    %eq3A = arith.cmpi eq, %select_n3A, %iota3A_2 : vector<2000x100xi32>
    %convert_element_type3A = arith.extui %eq3A : vector<2000x100xi1> to vector<2000x100xi32>
    %convert_element_type3A_26 = arith.sitofp %convert_element_type3A : vector<2000x100xi32> to vector<2000x100xf32>
    %convert_element_type3A_27 = arith.truncf %convert_element_type3A_26 : vector<2000x100xf32> to vector<2000x100xbf16>
    %convert_element_type3A_28 = arith.truncf %get3A_1 : vector<256x2000xf32> to vector<256x2000xbf16>
    %dot_general3A = arith.constant dense<0.000000e+00> : vector<256x100xf32>
    %dot_general3A_29 = tpu.matmul %convert_element_type3A_28, %convert_element_type3A_27, %dot_general3A {dimension_numbers = #tpu.dot_dimension_numbers<[1], [0], [0], [1], [0, 0, 1, 1], [], []>, transpose_lhs_hint = false} : vector<256x2000xbf16>, vector<2000x100xbf16>, vector<256x100xf32> -> vector<256x100xf32>
    %iota3A_30 = tpu.iota {dimensions = array<i32: 0>} : vector<2000x512xi32>
    %iota3A_31 = tpu.iota {dimensions = array<i32: 1>} : vector<2000x512xi32>
    %jit3A_32 = arith.constant 128 : i32
    %div3A_33 = vector.broadcast %jit3A_32 : i32 to vector<2000x512xi32>
    %div3A_34 = arith.divsi %iota3A_31, %div3A_33 : vector<2000x512xi32>
    %sign3A_35 = arith.constant 0 : i32
    %sign3A_36 = vector.broadcast %sign3A_35 : i32 to vector<2000x512xi32>
    %sign3A_37 = arith.cmpi sgt, %iota3A_31, %sign3A_36 : vector<2000x512xi32>
    %sign3A_38 = arith.extui %sign3A_37 : vector<2000x512xi1> to vector<2000x512xi32>
    %sign3A_39 = arith.constant 0 : i32
    %sign3A_40 = vector.broadcast %sign3A_39 : i32 to vector<2000x512xi32>
    %sign3A_41 = arith.cmpi slt, %iota3A_31, %sign3A_40 : vector<2000x512xi32>
    %sign3A_42 = arith.extui %sign3A_41 : vector<2000x512xi1> to vector<2000x512xi32>
    %sign3A_43 = arith.subi %sign3A_38, %sign3A_42 : vector<2000x512xi32>
    %sign3A_44 = arith.constant 0 : i32
    %sign3A_45 = arith.cmpi sgt, %jit3A_32, %sign3A_44 : i32
    %sign3A_46 = arith.extui %sign3A_45 : i1 to i32
    %sign3A_47 = arith.constant 0 : i32
    %sign3A_48 = arith.cmpi slt, %jit3A_32, %sign3A_47 : i32
    %sign3A_49 = arith.extui %sign3A_48 : i1 to i32
    %sign3A_50 = arith.subi %sign3A_46, %sign3A_49 : i32
    %ne3A_51 = vector.broadcast %sign3A_50 : i32 to vector<2000x512xi32>
    %ne3A_52 = arith.cmpi ne, %sign3A_43, %ne3A_51 : vector<2000x512xi32>
    %rem3A_53 = vector.broadcast %jit3A_32 : i32 to vector<2000x512xi32>
    %rem3A_54 = arith.remsi %iota3A_31, %rem3A_53 : vector<2000x512xi32>
    %ne3A_55 = arith.constant 0 : i32
    %ne3A_56 = vector.broadcast %ne3A_55 : i32 to vector<2000x512xi32>
    %ne3A_57 = arith.cmpi ne, %rem3A_54, %ne3A_56 : vector<2000x512xi32>
    %and3A_58 = arith.andi %ne3A_52, %ne3A_57 : vector<2000x512xi1>
    %sub3A_59 = arith.constant 1 : i32
    %sub3A_60 = vector.broadcast %sub3A_59 : i32 to vector<2000x512xi32>
    %sub3A_61 = arith.subi %div3A_34, %sub3A_60 : vector<2000x512xi32>
    %select_n3A_62 = arith.select %and3A_58, %sub3A_61, %div3A_34 : vector<2000x512xi1>, vector<2000x512xi32>
    %jit3A_63 = arith.constant 128 : i32
    %eq3A_64 = arith.constant 0 : i32
    %eq3A_65 = arith.cmpi eq, %jit3A_63, %eq3A_64 : i32
    %jit3A_66 = arith.constant 1 : i32
    %select_n3A_67 = arith.select %eq3A_65, %jit3A_66, %jit3A_63 : i32
    %rem3A_68 = vector.broadcast %select_n3A_67 : i32 to vector<2000x512xi32>
    %rem3A_69 = arith.remsi %iota3A_31, %rem3A_68 : vector<2000x512xi32>
    %ne3A_70 = arith.constant 0 : i32
    %ne3A_71 = vector.broadcast %ne3A_70 : i32 to vector<2000x512xi32>
    %ne3A_72 = arith.cmpi ne, %rem3A_69, %ne3A_71 : vector<2000x512xi32>
    %lt3A = arith.constant 0 : i32
    %lt3A_73 = vector.broadcast %lt3A : i32 to vector<2000x512xi32>
    %lt3A_74 = arith.cmpi slt, %rem3A_69, %lt3A_73 : vector<2000x512xi32>
    %lt3A_75 = arith.constant 0 : i32
    %lt3A_76 = arith.cmpi slt, %select_n3A_67, %lt3A_75 : i32
    %ne3A_77 = vector.broadcast %lt3A_76 : i1 to vector<2000x512xi1>
    %ne3A_78 = vector.broadcast %ne3A_77 : vector<2000x512xi1> to vector<2000x512xi1>
    %ne3A_79 = arith.xori %lt3A_74, %ne3A_78 : vector<2000x512xi1>
    %and3A_80 = arith.andi %ne3A_79, %ne3A_72 : vector<2000x512xi1>
    %add3A = vector.broadcast %select_n3A_67 : i32 to vector<2000x512xi32>
    %add3A_81 = arith.addi %rem3A_69, %add3A : vector<2000x512xi32>
    %select_n3A_82 = arith.select %and3A_80, %add3A_81, %rem3A_69 : vector<2000x512xi1>, vector<2000x512xi32>
    %mul3A = arith.constant 20 : i32
    %mul3A_83 = vector.broadcast %mul3A : i32 to vector<2000x512xi32>
    %mul3A_84 = arith.muli %select_n3A_82, %mul3A_83 : vector<2000x512xi32>
    %eq3A_85 = arith.constant 0 : i32
    %eq3A_86 = vector.broadcast %eq3A_85 : i32 to vector<2000x512xi32>
    %eq3A_87 = arith.cmpi eq, %select_n3A_62, %eq3A_86 : vector<2000x512xi32>
    %add3A_88 = arith.constant 18 : i32
    %add3A_89 = vector.broadcast %add3A_88 : i32 to vector<2000x512xi32>
    %add3A_90 = arith.addi %mul3A_84, %add3A_89 : vector<2000x512xi32>
    %eq3A_91 = arith.cmpi eq, %iota3A_30, %add3A_90 : vector<2000x512xi32>
    %and3A_92 = arith.andi %eq3A_87, %eq3A_91 : vector<2000x512xi1>
    %eq3A_93 = arith.constant 1 : i32
    %eq3A_94 = vector.broadcast %eq3A_93 : i32 to vector<2000x512xi32>
    %eq3A_95 = arith.cmpi eq, %select_n3A_62, %eq3A_94 : vector<2000x512xi32>
    %add3A_96 = arith.constant 19 : i32
    %add3A_97 = vector.broadcast %add3A_96 : i32 to vector<2000x512xi32>
    %add3A_98 = arith.addi %mul3A_84, %add3A_97 : vector<2000x512xi32>
    %eq3A_99 = arith.cmpi eq, %iota3A_30, %add3A_98 : vector<2000x512xi32>
    %and3A_100 = arith.andi %eq3A_95, %eq3A_99 : vector<2000x512xi1>
    %or3A = arith.ori %and3A_92, %and3A_100 : vector<2000x512xi1>
    %eq3A_101 = arith.constant 2 : i32
    %eq3A_102 = vector.broadcast %eq3A_101 : i32 to vector<2000x512xi32>
    %eq3A_103 = arith.cmpi eq, %select_n3A_62, %eq3A_102 : vector<2000x512xi32>
    %add3A_104 = arith.constant 18 : i32
    %add3A_105 = vector.broadcast %add3A_104 : i32 to vector<2000x512xi32>
    %add3A_106 = arith.addi %mul3A_84, %add3A_105 : vector<2000x512xi32>
    %eq3A_107 = arith.cmpi eq, %iota3A_30, %add3A_106 : vector<2000x512xi32>
    %and3A_108 = arith.andi %eq3A_103, %eq3A_107 : vector<2000x512xi1>
    %or3A_109 = arith.ori %or3A, %and3A_108 : vector<2000x512xi1>
    %eq3A_110 = arith.constant 3 : i32
    %eq3A_111 = vector.broadcast %eq3A_110 : i32 to vector<2000x512xi32>
    %eq3A_112 = arith.cmpi eq, %select_n3A_62, %eq3A_111 : vector<2000x512xi32>
    %add3A_113 = arith.constant 19 : i32
    %add3A_114 = vector.broadcast %add3A_113 : i32 to vector<2000x512xi32>
    %add3A_115 = arith.addi %mul3A_84, %add3A_114 : vector<2000x512xi32>
    %eq3A_116 = arith.cmpi eq, %iota3A_30, %add3A_115 : vector<2000x512xi32>
    %and3A_117 = arith.andi %eq3A_112, %eq3A_116 : vector<2000x512xi1>
    %or3A_118 = arith.ori %or3A_109, %and3A_117 : vector<2000x512xi1>
    %convert_element_type3A_119 = arith.extui %or3A_118 : vector<2000x512xi1> to vector<2000x512xi32>
    %convert_element_type3A_120 = arith.sitofp %convert_element_type3A_119 : vector<2000x512xi32> to vector<2000x512xf32>
    %eq3A_121 = arith.constant 0 : i32
    %eq3A_122 = vector.broadcast %eq3A_121 : i32 to vector<2000x512xi32>
    %eq3A_123 = arith.cmpi eq, %select_n3A_62, %eq3A_122 : vector<2000x512xi32>
    %eq3A_124 = arith.cmpi eq, %iota3A_30, %mul3A_84 : vector<2000x512xi32>
    %and3A_125 = arith.andi %eq3A_123, %eq3A_124 : vector<2000x512xi1>
    %eq3A_126 = arith.constant 1 : i32
    %eq3A_127 = vector.broadcast %eq3A_126 : i32 to vector<2000x512xi32>
    %eq3A_128 = arith.cmpi eq, %select_n3A_62, %eq3A_127 : vector<2000x512xi32>
    %add3A_129 = arith.constant 1 : i32
    %add3A_130 = vector.broadcast %add3A_129 : i32 to vector<2000x512xi32>
    %add3A_131 = arith.addi %mul3A_84, %add3A_130 : vector<2000x512xi32>
    %eq3A_132 = arith.cmpi eq, %iota3A_30, %add3A_131 : vector<2000x512xi32>
    %and3A_133 = arith.andi %eq3A_128, %eq3A_132 : vector<2000x512xi1>
    %or3A_134 = arith.ori %and3A_125, %and3A_133 : vector<2000x512xi1>
    %convert_element_type3A_135 = arith.extui %or3A_134 : vector<2000x512xi1> to vector<2000x512xi32>
    %convert_element_type3A_136 = arith.sitofp %convert_element_type3A_135 : vector<2000x512xi32> to vector<2000x512xf32>
    %lt3A_137 = arith.constant 100 : i32
    %lt3A_138 = vector.broadcast %lt3A_137 : i32 to vector<2000x512xi32>
    %lt3A_139 = arith.cmpi slt, %select_n3A_82, %lt3A_138 : vector<2000x512xi32>
    %sub3A_140 = arith.subf %convert_element_type3A_120, %convert_element_type3A_136 : vector<2000x512xf32>
    %jit3A_141 = arith.constant 0.000000e+00 : f32
    %broadcast_in_dim3A = vector.broadcast %jit3A_141 : f32 to vector<2000x512xf32>
    %select_n3A_142 = arith.select %lt3A_139, %sub3A_140, %broadcast_in_dim3A : vector<2000x512xi1>, vector<2000x512xf32>
    %dot_general3A_143 = arith.constant dense<0.000000e+00> : vector<256x512xf32>
    %dot_general3A_144 = tpu.matmul %get3A_1, %select_n3A_142, %dot_general3A_143 {dimension_numbers = #tpu.dot_dimension_numbers<[1], [0], [0], [1], [0, 0, 1, 1], [], []>, transpose_lhs_hint = false} : vector<256x2000xf32>, vector<2000x512xf32>, vector<256x512xf32> -> vector<256x512xf32>
    %slice3A = vector.extract_strided_slice %dot_general3A_144 {offsets = [0, 0], sizes = [256, 100], strides = [1, 1]} : vector<256x512xf32> to vector<256x100xf32>
    %slice3A_145 = vector.extract_strided_slice %dot_general3A_144 {offsets = [0, 128], sizes = [256, 100], strides = [1, 1]} : vector<256x512xf32> to vector<256x100xf32>
    %slice3A_146 = vector.extract_strided_slice %dot_general3A_144 {offsets = [0, 256], sizes = [256, 100], strides = [1, 1]} : vector<256x512xf32> to vector<256x100xf32>
    %slice3A_147 = vector.extract_strided_slice %dot_general3A_144 {offsets = [0, 384], sizes = [256, 100], strides = [1, 1]} : vector<256x512xf32> to vector<256x100xf32>
    %mul3A_148 = arith.mulf %slice3A, %slice3A : vector<256x100xf32>
    %mul3A_149 = arith.mulf %slice3A_145, %slice3A_145 : vector<256x100xf32>
    %add3A_150 = arith.addf %mul3A_148, %mul3A_149 : vector<256x100xf32>
    %sqrt3A = math.sqrt %add3A_150 : vector<256x100xf32>
    %mul3A_151 = arith.mulf %slice3A_146, %slice3A_146 : vector<256x100xf32>
    %mul3A_152 = arith.mulf %slice3A_147, %slice3A_147 : vector<256x100xf32>
    %add3A_153 = arith.addf %mul3A_151, %mul3A_152 : vector<256x100xf32>
    %sqrt3A_154 = math.sqrt %add3A_153 : vector<256x100xf32>
    %abs3A = math.absf %slice3A_146 : vector<256x100xf32>
    %abs3A_155 = math.absf %slice3A_147 : vector<256x100xf32>
    %max3A = arith.maximumf %abs3A, %abs3A_155 : vector<256x100xf32>
    %min3A = arith.minimumf %abs3A, %abs3A_155 : vector<256x100xf32>
    %gt3A = arith.constant 0.000000e+00 : f32
    %gt3A_156 = vector.broadcast %gt3A : f32 to vector<256x100xf32>
    %gt3A_157 = arith.cmpf ogt, %max3A, %gt3A_156 : vector<256x100xf32>
    %jit3A_158 = arith.constant 1.000000e+00 : f32
    %broadcast_in_dim3A_159 = vector.broadcast %jit3A_158 : f32 to vector<256x100xf32>
    %select_n3A_160 = arith.select %gt3A_157, %max3A, %broadcast_in_dim3A_159 : vector<256x100xi1>, vector<256x100xf32>
    %div3A_161 = arith.divf %min3A, %select_n3A_160 : vector<256x100xf32>
    %mul3A_162 = arith.mulf %div3A_161, %div3A_161 : vector<256x100xf32>
    %mul3A_163 = arith.constant 0.00257992838 : f32
    %mul3A_164 = vector.broadcast %mul3A_163 : f32 to vector<256x100xf32>
    %mul3A_165 = arith.mulf %mul3A_164, %mul3A_162 : vector<256x100xf32>
    %add3A_166 = arith.constant -0.0148903718 : f32
    %add3A_167 = vector.broadcast %add3A_166 : f32 to vector<256x100xf32>
    %add3A_168 = arith.addf %mul3A_165, %add3A_167 : vector<256x100xf32>
    %mul3A_169 = arith.mulf %add3A_168, %mul3A_162 : vector<256x100xf32>
    %add3A_170 = arith.constant 0.0405751616 : f32
    %add3A_171 = vector.broadcast %add3A_170 : f32 to vector<256x100xf32>
    %add3A_172 = arith.addf %mul3A_169, %add3A_171 : vector<256x100xf32>
    %mul3A_173 = arith.mulf %add3A_172, %mul3A_162 : vector<256x100xf32>
    %add3A_174 = arith.constant -0.0730271041 : f32
    %add3A_175 = vector.broadcast %add3A_174 : f32 to vector<256x100xf32>
    %add3A_176 = arith.addf %mul3A_173, %add3A_175 : vector<256x100xf32>
    %mul3A_177 = arith.mulf %add3A_176, %mul3A_162 : vector<256x100xf32>
    %add3A_178 = arith.constant 0.105316527 : f32
    %add3A_179 = vector.broadcast %add3A_178 : f32 to vector<256x100xf32>
    %add3A_180 = arith.addf %mul3A_177, %add3A_179 : vector<256x100xf32>
    %mul3A_181 = arith.mulf %add3A_180, %mul3A_162 : vector<256x100xf32>
    %add3A_182 = arith.constant -0.14170064 : f32
    %add3A_183 = vector.broadcast %add3A_182 : f32 to vector<256x100xf32>
    %add3A_184 = arith.addf %mul3A_181, %add3A_183 : vector<256x100xf32>
    %mul3A_185 = arith.mulf %add3A_184, %mul3A_162 : vector<256x100xf32>
    %add3A_186 = arith.constant 0.199871525 : f32
    %add3A_187 = vector.broadcast %add3A_186 : f32 to vector<256x100xf32>
    %add3A_188 = arith.addf %mul3A_185, %add3A_187 : vector<256x100xf32>
    %mul3A_189 = arith.mulf %add3A_188, %mul3A_162 : vector<256x100xf32>
    %add3A_190 = arith.constant -0.333326757 : f32
    %add3A_191 = vector.broadcast %add3A_190 : f32 to vector<256x100xf32>
    %add3A_192 = arith.addf %mul3A_189, %add3A_191 : vector<256x100xf32>
    %mul3A_193 = arith.mulf %add3A_192, %mul3A_162 : vector<256x100xf32>
    %add3A_194 = arith.constant 0.99999988 : f32
    %add3A_195 = vector.broadcast %add3A_194 : f32 to vector<256x100xf32>
    %add3A_196 = arith.addf %mul3A_193, %add3A_195 : vector<256x100xf32>
    %mul3A_197 = arith.mulf %div3A_161, %add3A_196 : vector<256x100xf32>
    %gt3A_198 = arith.cmpf ogt, %abs3A, %abs3A_155 : vector<256x100xf32>
    %sub3A_199 = arith.constant 1.57079637 : f32
    %sub3A_200 = vector.broadcast %sub3A_199 : f32 to vector<256x100xf32>
    %sub3A_201 = arith.subf %sub3A_200, %mul3A_197 : vector<256x100xf32>
    %select_n3A_202 = arith.select %gt3A_198, %sub3A_201, %mul3A_197 : vector<256x100xi1>, vector<256x100xf32>
    %lt3A_203 = arith.constant 0.000000e+00 : f32
    %lt3A_204 = vector.broadcast %lt3A_203 : f32 to vector<256x100xf32>
    %lt3A_205 = arith.cmpf olt, %slice3A_147, %lt3A_204 : vector<256x100xf32>
    %sub3A_206 = arith.constant 3.14159274 : f32
    %sub3A_207 = vector.broadcast %sub3A_206 : f32 to vector<256x100xf32>
    %sub3A_208 = arith.subf %sub3A_207, %select_n3A_202 : vector<256x100xf32>
    %select_n3A_209 = arith.select %lt3A_205, %sub3A_208, %select_n3A_202 : vector<256x100xi1>, vector<256x100xf32>
    %lt3A_210 = arith.constant 0.000000e+00 : f32
    %lt3A_211 = vector.broadcast %lt3A_210 : f32 to vector<256x100xf32>
    %lt3A_212 = arith.cmpf olt, %slice3A_146, %lt3A_211 : vector<256x100xf32>
    %neg3A = arith.constant 0.000000e+00 : f32
    %neg3A_213 = vector.broadcast %neg3A : f32 to vector<256x100xf32>
    %neg3A_214 = arith.subf %neg3A_213, %select_n3A_209 : vector<256x100xf32>
    %select_n3A_215 = arith.select %lt3A_212, %neg3A_214, %select_n3A_209 : vector<256x100xi1>, vector<256x100xf32>
    %lt3A_216 = arith.constant 0.000000e+00 : f32
    %lt3A_217 = vector.broadcast %lt3A_216 : f32 to vector<256x100xf32>
    %lt3A_218 = arith.cmpf olt, %select_n3A_215, %lt3A_217 : vector<256x100xf32>
    %add3A_219 = arith.constant 6.28318548 : f32
    %add3A_220 = vector.broadcast %add3A_219 : f32 to vector<256x100xf32>
    %add3A_221 = arith.addf %select_n3A_215, %add3A_220 : vector<256x100xf32>
    %select_n3A_222 = arith.select %lt3A_218, %add3A_221, %select_n3A_215 : vector<256x100xi1>, vector<256x100xf32>
    %div3A_223 = arith.constant 0.785398185 : f32
    %div3A_224 = vector.broadcast %div3A_223 : f32 to vector<256x100xf32>
    %div3A_225 = arith.divf %select_n3A_222, %div3A_224 : vector<256x100xf32>
    %convert_element_type3A_226 = arith.fptosi %div3A_225 : vector<256x100xf32> to vector<256x100xi32>
    %ne3A_227 = arith.constant 0.000000e+00 : f32
    %ne3A_228 = vector.broadcast %ne3A_227 : f32 to vector<256x100xf32>
    %ne3A_229 = arith.cmpf one, %dot_general3A_29, %ne3A_228 : vector<256x100xf32>
    %lt3A_230 = arith.constant 8 : i32
    %lt3A_231 = vector.broadcast %lt3A_230 : i32 to vector<256x100xi32>
    %lt3A_232 = arith.cmpi slt, %convert_element_type3A_226, %lt3A_231 : vector<256x100xi32>
    %and3A_233 = arith.andi %ne3A_229, %lt3A_232 : vector<256x100xi1>
    %swap3A = arith.constant 0 : index
    %swap3A_234 = arith.constant 0 : index
    %swap3A_235 = vector.load %arg2[%swap3A, %swap3A_234] : memref<256x100xf32, #tpu.memory_space<vmem>>, vector<256x100xf32>
    tpu.vector_store %arg2[%swap3A, %swap3A_234], %sqrt3A {strides = array<i32>} : memref<256x100xf32, #tpu.memory_space<vmem>>, vector<256x100xf32>,
    %swap3A_236 = arith.constant 0 : index
    %swap3A_237 = arith.constant 0 : index
    %swap3A_238 = vector.load %arg3[%swap3A_236, %swap3A_237] : memref<256x100xf32, #tpu.memory_space<vmem>>, vector<256x100xf32>
    tpu.vector_store %arg3[%swap3A_236, %swap3A_237], %sqrt3A_154 {strides = array<i32>} : memref<256x100xf32, #tpu.memory_space<vmem>>, vector<256x100xf32>,
    %swap3A_239 = arith.constant 0 : index
    %swap3A_240 = arith.constant 0 : index
    %swap3A_241 = vector.load %arg4[%swap3A_239, %swap3A_240] : memref<256x100xf32, #tpu.memory_space<vmem>>, vector<256x100xf32>
    tpu.vector_store %arg4[%swap3A_239, %swap3A_240], %select_n3A_222 {strides = array<i32>} : memref<256x100xf32, #tpu.memory_space<vmem>>, vector<256x100xf32>,
    %jit3A_242 = arith.constant 8 : i32
    %broadcast_in_dim3A_243 = vector.broadcast %jit3A_242 : i32 to vector<256x100xi32>
    %select_n3A_244 = arith.select %and3A_233, %convert_element_type3A_226, %broadcast_in_dim3A_243 : vector<256x100xi1>, vector<256x100xi32>
    %swap3A_245 = arith.constant 0 : index
    %swap3A_246 = arith.constant 0 : index
    %swap3A_247 = vector.load %arg5[%swap3A_245, %swap3A_246] : memref<256x100xi32, #tpu.memory_space<vmem>>, vector<256x100xi32>
    tpu.vector_store %arg5[%swap3A_245, %swap3A_246], %select_n3A_244 {strides = array<i32>} : memref<256x100xi32, #tpu.memory_space<vmem>>, vector<256x100xi32>,
    return
  }
  func.func @transform_0(%arg0: i32) -> (i32, i32) {
    %c0_i32 = arith.constant 0 : i32
    %c0_i32_0 = arith.constant 0 : i32
    return %arg0, %c0_i32 : i32, i32
  }
  func.func @transform_1(%arg0: i32) -> (i32, i32) {
    %c0_i32 = arith.constant 0 : i32
    %c0_i32_0 = arith.constant 0 : i32
    return %arg0, %c0_i32 : i32, i32
  }
  func.func @transform_2(%arg0: i32) -> (i32, i32) {
    %c0_i32 = arith.constant 0 : i32
    %c0_i32_0 = arith.constant 0 : i32
    return %arg0, %c0_i32 : i32, i32
  }
  func.func @transform_3(%arg0: i32) -> (i32, i32) {
    %c0_i32 = arith.constant 0 : i32
    %c0_i32_0 = arith.constant 0 : i32
    return %arg0, %c0_i32 : i32, i32
  }
  func.func @transform_4(%arg0: i32) -> (i32, i32) {
    %c0_i32 = arith.constant 0 : i32
    %c0_i32_0 = arith.constant 0 : i32
    return %arg0, %c0_i32 : i32, i32
  }
}

module attributes {stable_mosaic.version = 14 : i64} {
  func.func @_enc_body(%arg0: i32, %arg1: memref<256x512xf32, #tpu.memory_space<vmem>>, %arg2: memref<3x128xf32, #tpu.memory_space<vmem>>, %arg3: memref<1x128xf32, #tpu.memory_space<vmem>>, %arg4: memref<256x8x128xf32, #tpu.memory_space<vmem>>, %arg5: memref<256x8x3xf32, #tpu.memory_space<vmem>>) attributes {dimension_semantics = [#tpu.dimension_semantics<arbitrary>], iteration_bounds = array<i64: 64>, scalar_prefetch = 0 : i64, scratch_operands = 0 : i64, tpu.core_type = #tpu.core_type<tc>, window_params = [{transform_indices = @transform_0, window_bounds = array<i64: 256, 512>}, {pipeline_mode = #tpu.pipeline_mode<synchronous>, transform_indices = @transform_1, window_bounds = array<i64: 3, 128>}, {pipeline_mode = #tpu.pipeline_mode<synchronous>, transform_indices = @transform_2, window_bounds = array<i64: 1, 128>}, {transform_indices = @transform_3, window_bounds = array<i64: 256, 8, 128>}, {transform_indices = @transform_4, window_bounds = array<i64: 256, 8, 3>}]} {
    %get3A = arith.constant 0 : index
    %get3A_0 = arith.constant 0 : index
    %get3A_1 = vector.load %arg1[%get3A, %get3A_0] : memref<256x512xf32, #tpu.memory_space<vmem>>, vector<256x512xf32>
    %iota3A = tpu.iota {dimensions = array<i32: 0>} : vector<512x8xi32>
    %iota3A_2 = tpu.iota {dimensions = array<i32: 1>} : vector<512x8xi32>
    %jit3A = arith.constant 64 : i32
    %div3A = vector.broadcast %jit3A : i32 to vector<512x8xi32>
    %div3A_3 = arith.divsi %iota3A, %div3A : vector<512x8xi32>
    %sign3A = arith.constant 0 : i32
    %sign3A_4 = vector.broadcast %sign3A : i32 to vector<512x8xi32>
    %sign3A_5 = arith.cmpi sgt, %iota3A, %sign3A_4 : vector<512x8xi32>
    %sign3A_6 = arith.extui %sign3A_5 : vector<512x8xi1> to vector<512x8xi32>
    %sign3A_7 = arith.constant 0 : i32
    %sign3A_8 = vector.broadcast %sign3A_7 : i32 to vector<512x8xi32>
    %sign3A_9 = arith.cmpi slt, %iota3A, %sign3A_8 : vector<512x8xi32>
    %sign3A_10 = arith.extui %sign3A_9 : vector<512x8xi1> to vector<512x8xi32>
    %sign3A_11 = arith.subi %sign3A_6, %sign3A_10 : vector<512x8xi32>
    %sign3A_12 = arith.constant 0 : i32
    %sign3A_13 = arith.cmpi sgt, %jit3A, %sign3A_12 : i32
    %sign3A_14 = arith.extui %sign3A_13 : i1 to i32
    %sign3A_15 = arith.constant 0 : i32
    %sign3A_16 = arith.cmpi slt, %jit3A, %sign3A_15 : i32
    %sign3A_17 = arith.extui %sign3A_16 : i1 to i32
    %sign3A_18 = arith.subi %sign3A_14, %sign3A_17 : i32
    %ne3A = vector.broadcast %sign3A_18 : i32 to vector<512x8xi32>
    %ne3A_19 = arith.cmpi ne, %sign3A_11, %ne3A : vector<512x8xi32>
    %rem3A = vector.broadcast %jit3A : i32 to vector<512x8xi32>
    %rem3A_20 = arith.remsi %iota3A, %rem3A : vector<512x8xi32>
    %ne3A_21 = arith.constant 0 : i32
    %ne3A_22 = vector.broadcast %ne3A_21 : i32 to vector<512x8xi32>
    %ne3A_23 = arith.cmpi ne, %rem3A_20, %ne3A_22 : vector<512x8xi32>
    %and3A = arith.andi %ne3A_19, %ne3A_23 : vector<512x8xi1>
    %sub3A = arith.constant 1 : i32
    %sub3A_24 = vector.broadcast %sub3A : i32 to vector<512x8xi32>
    %sub3A_25 = arith.subi %div3A_3, %sub3A_24 : vector<512x8xi32>
    %select_n3A = arith.select %and3A, %sub3A_25, %div3A_3 : vector<512x8xi1>, vector<512x8xi32>
    %eq3A = arith.cmpi eq, %select_n3A, %iota3A_2 : vector<512x8xi32>
    %jit3A_26 = arith.constant 16 : i32
    %div3A_27 = vector.broadcast %jit3A_26 : i32 to vector<512x8xi32>
    %div3A_28 = arith.divsi %iota3A, %div3A_27 : vector<512x8xi32>
    %sign3A_29 = arith.constant 0 : i32
    %sign3A_30 = vector.broadcast %sign3A_29 : i32 to vector<512x8xi32>
    %sign3A_31 = arith.cmpi sgt, %iota3A, %sign3A_30 : vector<512x8xi32>
    %sign3A_32 = arith.extui %sign3A_31 : vector<512x8xi1> to vector<512x8xi32>
    %sign3A_33 = arith.constant 0 : i32
    %sign3A_34 = vector.broadcast %sign3A_33 : i32 to vector<512x8xi32>
    %sign3A_35 = arith.cmpi slt, %iota3A, %sign3A_34 : vector<512x8xi32>
    %sign3A_36 = arith.extui %sign3A_35 : vector<512x8xi1> to vector<512x8xi32>
    %sign3A_37 = arith.subi %sign3A_32, %sign3A_36 : vector<512x8xi32>
    %sign3A_38 = arith.constant 0 : i32
    %sign3A_39 = arith.cmpi sgt, %jit3A_26, %sign3A_38 : i32
    %sign3A_40 = arith.extui %sign3A_39 : i1 to i32
    %sign3A_41 = arith.constant 0 : i32
    %sign3A_42 = arith.cmpi slt, %jit3A_26, %sign3A_41 : i32
    %sign3A_43 = arith.extui %sign3A_42 : i1 to i32
    %sign3A_44 = arith.subi %sign3A_40, %sign3A_43 : i32
    %ne3A_45 = vector.broadcast %sign3A_44 : i32 to vector<512x8xi32>
    %ne3A_46 = arith.cmpi ne, %sign3A_37, %ne3A_45 : vector<512x8xi32>
    %rem3A_47 = vector.broadcast %jit3A_26 : i32 to vector<512x8xi32>
    %rem3A_48 = arith.remsi %iota3A, %rem3A_47 : vector<512x8xi32>
    %ne3A_49 = arith.constant 0 : i32
    %ne3A_50 = vector.broadcast %ne3A_49 : i32 to vector<512x8xi32>
    %ne3A_51 = arith.cmpi ne, %rem3A_48, %ne3A_50 : vector<512x8xi32>
    %and3A_52 = arith.andi %ne3A_46, %ne3A_51 : vector<512x8xi1>
    %sub3A_53 = arith.constant 1 : i32
    %sub3A_54 = vector.broadcast %sub3A_53 : i32 to vector<512x8xi32>
    %sub3A_55 = arith.subi %div3A_28, %sub3A_54 : vector<512x8xi32>
    %select_n3A_56 = arith.select %and3A_52, %sub3A_55, %div3A_28 : vector<512x8xi1>, vector<512x8xi32>
    %jit3A_57 = arith.constant 4 : i32
    %eq3A_58 = arith.constant 0 : i32
    %eq3A_59 = arith.cmpi eq, %jit3A_57, %eq3A_58 : i32
    %jit3A_60 = arith.constant 1 : i32
    %select_n3A_61 = arith.select %eq3A_59, %jit3A_60, %jit3A_57 : i32
    %rem3A_62 = vector.broadcast %select_n3A_61 : i32 to vector<512x8xi32>
    %rem3A_63 = arith.remsi %select_n3A_56, %rem3A_62 : vector<512x8xi32>
    %ne3A_64 = arith.constant 0 : i32
    %ne3A_65 = vector.broadcast %ne3A_64 : i32 to vector<512x8xi32>
    %ne3A_66 = arith.cmpi ne, %rem3A_63, %ne3A_65 : vector<512x8xi32>
    %lt3A = arith.constant 0 : i32
    %lt3A_67 = vector.broadcast %lt3A : i32 to vector<512x8xi32>
    %lt3A_68 = arith.cmpi slt, %rem3A_63, %lt3A_67 : vector<512x8xi32>
    %lt3A_69 = arith.constant 0 : i32
    %lt3A_70 = arith.cmpi slt, %select_n3A_61, %lt3A_69 : i32
    %ne3A_71 = vector.broadcast %lt3A_70 : i1 to vector<512x8xi1>
    %ne3A_72 = vector.broadcast %ne3A_71 : vector<512x8xi1> to vector<512x8xi1>
    %ne3A_73 = arith.xori %lt3A_68, %ne3A_72 : vector<512x8xi1>
    %and3A_74 = arith.andi %ne3A_73, %ne3A_66 : vector<512x8xi1>
    %add3A = vector.broadcast %select_n3A_61 : i32 to vector<512x8xi32>
    %add3A_75 = arith.addi %rem3A_63, %add3A : vector<512x8xi32>
    %select_n3A_76 = arith.select %and3A_74, %add3A_75, %rem3A_63 : vector<512x8xi1>, vector<512x8xi32>
    %eq3A_77 = arith.constant 0 : i32
    %eq3A_78 = vector.broadcast %eq3A_77 : i32 to vector<512x8xi32>
    %eq3A_79 = arith.cmpi eq, %select_n3A_76, %eq3A_78 : vector<512x8xi32>
    %and3A_80 = arith.andi %eq3A, %eq3A_79 : vector<512x8xi1>
    %convert_element_type3A = arith.extui %and3A_80 : vector<512x8xi1> to vector<512x8xi32>
    %convert_element_type3A_81 = arith.sitofp %convert_element_type3A : vector<512x8xi32> to vector<512x8xf32>
    %dot_general3A = arith.constant dense<0.000000e+00> : vector<256x8xf32>
    %dot_general3A_82 = tpu.matmul %get3A_1, %convert_element_type3A_81, %dot_general3A {dimension_numbers = #tpu.dot_dimension_numbers<[1], [0], [0], [1], [0, 0, 1, 1], [], []>, transpose_lhs_hint = false} : vector<256x512xf32>, vector<512x8xf32>, vector<256x8xf32> -> vector<256x8xf32>
    %jit3A_83 = arith.constant 64 : i32
    %div3A_84 = vector.broadcast %jit3A_83 : i32 to vector<512x8xi32>
    %div3A_85 = arith.divsi %iota3A, %div3A_84 : vector<512x8xi32>
    %sign3A_86 = arith.constant 0 : i32
    %sign3A_87 = vector.broadcast %sign3A_86 : i32 to vector<512x8xi32>
    %sign3A_88 = arith.cmpi sgt, %iota3A, %sign3A_87 : vector<512x8xi32>
    %sign3A_89 = arith.extui %sign3A_88 : vector<512x8xi1> to vector<512x8xi32>
    %sign3A_90 = arith.constant 0 : i32
    %sign3A_91 = vector.broadcast %sign3A_90 : i32 to vector<512x8xi32>
    %sign3A_92 = arith.cmpi slt, %iota3A, %sign3A_91 : vector<512x8xi32>
    %sign3A_93 = arith.extui %sign3A_92 : vector<512x8xi1> to vector<512x8xi32>
    %sign3A_94 = arith.subi %sign3A_89, %sign3A_93 : vector<512x8xi32>
    %sign3A_95 = arith.constant 0 : i32
    %sign3A_96 = arith.cmpi sgt, %jit3A_83, %sign3A_95 : i32
    %sign3A_97 = arith.extui %sign3A_96 : i1 to i32
    %sign3A_98 = arith.constant 0 : i32
    %sign3A_99 = arith.cmpi slt, %jit3A_83, %sign3A_98 : i32
    %sign3A_100 = arith.extui %sign3A_99 : i1 to i32
    %sign3A_101 = arith.subi %sign3A_97, %sign3A_100 : i32
    %ne3A_102 = vector.broadcast %sign3A_101 : i32 to vector<512x8xi32>
    %ne3A_103 = arith.cmpi ne, %sign3A_94, %ne3A_102 : vector<512x8xi32>
    %rem3A_104 = vector.broadcast %jit3A_83 : i32 to vector<512x8xi32>
    %rem3A_105 = arith.remsi %iota3A, %rem3A_104 : vector<512x8xi32>
    %ne3A_106 = arith.constant 0 : i32
    %ne3A_107 = vector.broadcast %ne3A_106 : i32 to vector<512x8xi32>
    %ne3A_108 = arith.cmpi ne, %rem3A_105, %ne3A_107 : vector<512x8xi32>
    %and3A_109 = arith.andi %ne3A_103, %ne3A_108 : vector<512x8xi1>
    %sub3A_110 = arith.constant 1 : i32
    %sub3A_111 = vector.broadcast %sub3A_110 : i32 to vector<512x8xi32>
    %sub3A_112 = arith.subi %div3A_85, %sub3A_111 : vector<512x8xi32>
    %select_n3A_113 = arith.select %and3A_109, %sub3A_112, %div3A_85 : vector<512x8xi1>, vector<512x8xi32>
    %eq3A_114 = arith.cmpi eq, %select_n3A_113, %iota3A_2 : vector<512x8xi32>
    %jit3A_115 = arith.constant 16 : i32
    %div3A_116 = vector.broadcast %jit3A_115 : i32 to vector<512x8xi32>
    %div3A_117 = arith.divsi %iota3A, %div3A_116 : vector<512x8xi32>
    %sign3A_118 = arith.constant 0 : i32
    %sign3A_119 = vector.broadcast %sign3A_118 : i32 to vector<512x8xi32>
    %sign3A_120 = arith.cmpi sgt, %iota3A, %sign3A_119 : vector<512x8xi32>
    %sign3A_121 = arith.extui %sign3A_120 : vector<512x8xi1> to vector<512x8xi32>
    %sign3A_122 = arith.constant 0 : i32
    %sign3A_123 = vector.broadcast %sign3A_122 : i32 to vector<512x8xi32>
    %sign3A_124 = arith.cmpi slt, %iota3A, %sign3A_123 : vector<512x8xi32>
    %sign3A_125 = arith.extui %sign3A_124 : vector<512x8xi1> to vector<512x8xi32>
    %sign3A_126 = arith.subi %sign3A_121, %sign3A_125 : vector<512x8xi32>
    %sign3A_127 = arith.constant 0 : i32
    %sign3A_128 = arith.cmpi sgt, %jit3A_115, %sign3A_127 : i32
    %sign3A_129 = arith.extui %sign3A_128 : i1 to i32
    %sign3A_130 = arith.constant 0 : i32
    %sign3A_131 = arith.cmpi slt, %jit3A_115, %sign3A_130 : i32
    %sign3A_132 = arith.extui %sign3A_131 : i1 to i32
    %sign3A_133 = arith.subi %sign3A_129, %sign3A_132 : i32
    %ne3A_134 = vector.broadcast %sign3A_133 : i32 to vector<512x8xi32>
    %ne3A_135 = arith.cmpi ne, %sign3A_126, %ne3A_134 : vector<512x8xi32>
    %rem3A_136 = vector.broadcast %jit3A_115 : i32 to vector<512x8xi32>
    %rem3A_137 = arith.remsi %iota3A, %rem3A_136 : vector<512x8xi32>
    %ne3A_138 = arith.constant 0 : i32
    %ne3A_139 = vector.broadcast %ne3A_138 : i32 to vector<512x8xi32>
    %ne3A_140 = arith.cmpi ne, %rem3A_137, %ne3A_139 : vector<512x8xi32>
    %and3A_141 = arith.andi %ne3A_135, %ne3A_140 : vector<512x8xi1>
    %sub3A_142 = arith.constant 1 : i32
    %sub3A_143 = vector.broadcast %sub3A_142 : i32 to vector<512x8xi32>
    %sub3A_144 = arith.subi %div3A_117, %sub3A_143 : vector<512x8xi32>
    %select_n3A_145 = arith.select %and3A_141, %sub3A_144, %div3A_117 : vector<512x8xi1>, vector<512x8xi32>
    %jit3A_146 = arith.constant 4 : i32
    %eq3A_147 = arith.constant 0 : i32
    %eq3A_148 = arith.cmpi eq, %jit3A_146, %eq3A_147 : i32
    %jit3A_149 = arith.constant 1 : i32
    %select_n3A_150 = arith.select %eq3A_148, %jit3A_149, %jit3A_146 : i32
    %rem3A_151 = vector.broadcast %select_n3A_150 : i32 to vector<512x8xi32>
    %rem3A_152 = arith.remsi %select_n3A_145, %rem3A_151 : vector<512x8xi32>
    %ne3A_153 = arith.constant 0 : i32
    %ne3A_154 = vector.broadcast %ne3A_153 : i32 to vector<512x8xi32>
    %ne3A_155 = arith.cmpi ne, %rem3A_152, %ne3A_154 : vector<512x8xi32>
    %lt3A_156 = arith.constant 0 : i32
    %lt3A_157 = vector.broadcast %lt3A_156 : i32 to vector<512x8xi32>
    %lt3A_158 = arith.cmpi slt, %rem3A_152, %lt3A_157 : vector<512x8xi32>
    %lt3A_159 = arith.constant 0 : i32
    %lt3A_160 = arith.cmpi slt, %select_n3A_150, %lt3A_159 : i32
    %ne3A_161 = vector.broadcast %lt3A_160 : i1 to vector<512x8xi1>
    %ne3A_162 = vector.broadcast %ne3A_161 : vector<512x8xi1> to vector<512x8xi1>
    %ne3A_163 = arith.xori %lt3A_158, %ne3A_162 : vector<512x8xi1>
    %and3A_164 = arith.andi %ne3A_163, %ne3A_155 : vector<512x8xi1>
    %add3A_165 = vector.broadcast %select_n3A_150 : i32 to vector<512x8xi32>
    %add3A_166 = arith.addi %rem3A_152, %add3A_165 : vector<512x8xi32>
    %select_n3A_167 = arith.select %and3A_164, %add3A_166, %rem3A_152 : vector<512x8xi1>, vector<512x8xi32>
    %eq3A_168 = arith.constant 1 : i32
    %eq3A_169 = vector.broadcast %eq3A_168 : i32 to vector<512x8xi32>
    %eq3A_170 = arith.cmpi eq, %select_n3A_167, %eq3A_169 : vector<512x8xi32>
    %and3A_171 = arith.andi %eq3A_114, %eq3A_170 : vector<512x8xi1>
    %convert_element_type3A_172 = arith.extui %and3A_171 : vector<512x8xi1> to vector<512x8xi32>
    %convert_element_type3A_173 = arith.sitofp %convert_element_type3A_172 : vector<512x8xi32> to vector<512x8xf32>
    %dot_general3A_174 = arith.constant dense<0.000000e+00> : vector<256x8xf32>
    %dot_general3A_175 = tpu.matmul %get3A_1, %convert_element_type3A_173, %dot_general3A_174 {dimension_numbers = #tpu.dot_dimension_numbers<[1], [0], [0], [1], [0, 0, 1, 1], [], []>, transpose_lhs_hint = false} : vector<256x512xf32>, vector<512x8xf32>, vector<256x8xf32> -> vector<256x8xf32>
    %jit3A_176 = arith.constant 64 : i32
    %div3A_177 = vector.broadcast %jit3A_176 : i32 to vector<512x8xi32>
    %div3A_178 = arith.divsi %iota3A, %div3A_177 : vector<512x8xi32>
    %sign3A_179 = arith.constant 0 : i32
    %sign3A_180 = vector.broadcast %sign3A_179 : i32 to vector<512x8xi32>
    %sign3A_181 = arith.cmpi sgt, %iota3A, %sign3A_180 : vector<512x8xi32>
    %sign3A_182 = arith.extui %sign3A_181 : vector<512x8xi1> to vector<512x8xi32>
    %sign3A_183 = arith.constant 0 : i32
    %sign3A_184 = vector.broadcast %sign3A_183 : i32 to vector<512x8xi32>
    %sign3A_185 = arith.cmpi slt, %iota3A, %sign3A_184 : vector<512x8xi32>
    %sign3A_186 = arith.extui %sign3A_185 : vector<512x8xi1> to vector<512x8xi32>
    %sign3A_187 = arith.subi %sign3A_182, %sign3A_186 : vector<512x8xi32>
    %sign3A_188 = arith.constant 0 : i32
    %sign3A_189 = arith.cmpi sgt, %jit3A_176, %sign3A_188 : i32
    %sign3A_190 = arith.extui %sign3A_189 : i1 to i32
    %sign3A_191 = arith.constant 0 : i32
    %sign3A_192 = arith.cmpi slt, %jit3A_176, %sign3A_191 : i32
    %sign3A_193 = arith.extui %sign3A_192 : i1 to i32
    %sign3A_194 = arith.subi %sign3A_190, %sign3A_193 : i32
    %ne3A_195 = vector.broadcast %sign3A_194 : i32 to vector<512x8xi32>
    %ne3A_196 = arith.cmpi ne, %sign3A_187, %ne3A_195 : vector<512x8xi32>
    %rem3A_197 = vector.broadcast %jit3A_176 : i32 to vector<512x8xi32>
    %rem3A_198 = arith.remsi %iota3A, %rem3A_197 : vector<512x8xi32>
    %ne3A_199 = arith.constant 0 : i32
    %ne3A_200 = vector.broadcast %ne3A_199 : i32 to vector<512x8xi32>
    %ne3A_201 = arith.cmpi ne, %rem3A_198, %ne3A_200 : vector<512x8xi32>
    %and3A_202 = arith.andi %ne3A_196, %ne3A_201 : vector<512x8xi1>
    %sub3A_203 = arith.constant 1 : i32
    %sub3A_204 = vector.broadcast %sub3A_203 : i32 to vector<512x8xi32>
    %sub3A_205 = arith.subi %div3A_178, %sub3A_204 : vector<512x8xi32>
    %select_n3A_206 = arith.select %and3A_202, %sub3A_205, %div3A_178 : vector<512x8xi1>, vector<512x8xi32>
    %eq3A_207 = arith.cmpi eq, %select_n3A_206, %iota3A_2 : vector<512x8xi32>
    %jit3A_208 = arith.constant 16 : i32
    %div3A_209 = vector.broadcast %jit3A_208 : i32 to vector<512x8xi32>
    %div3A_210 = arith.divsi %iota3A, %div3A_209 : vector<512x8xi32>
    %sign3A_211 = arith.constant 0 : i32
    %sign3A_212 = vector.broadcast %sign3A_211 : i32 to vector<512x8xi32>
    %sign3A_213 = arith.cmpi sgt, %iota3A, %sign3A_212 : vector<512x8xi32>
    %sign3A_214 = arith.extui %sign3A_213 : vector<512x8xi1> to vector<512x8xi32>
    %sign3A_215 = arith.constant 0 : i32
    %sign3A_216 = vector.broadcast %sign3A_215 : i32 to vector<512x8xi32>
    %sign3A_217 = arith.cmpi slt, %iota3A, %sign3A_216 : vector<512x8xi32>
    %sign3A_218 = arith.extui %sign3A_217 : vector<512x8xi1> to vector<512x8xi32>
    %sign3A_219 = arith.subi %sign3A_214, %sign3A_218 : vector<512x8xi32>
    %sign3A_220 = arith.constant 0 : i32
    %sign3A_221 = arith.cmpi sgt, %jit3A_208, %sign3A_220 : i32
    %sign3A_222 = arith.extui %sign3A_221 : i1 to i32
    %sign3A_223 = arith.constant 0 : i32
    %sign3A_224 = arith.cmpi slt, %jit3A_208, %sign3A_223 : i32
    %sign3A_225 = arith.extui %sign3A_224 : i1 to i32
    %sign3A_226 = arith.subi %sign3A_222, %sign3A_225 : i32
    %ne3A_227 = vector.broadcast %sign3A_226 : i32 to vector<512x8xi32>
    %ne3A_228 = arith.cmpi ne, %sign3A_219, %ne3A_227 : vector<512x8xi32>
    %rem3A_229 = vector.broadcast %jit3A_208 : i32 to vector<512x8xi32>
    %rem3A_230 = arith.remsi %iota3A, %rem3A_229 : vector<512x8xi32>
    %ne3A_231 = arith.constant 0 : i32
    %ne3A_232 = vector.broadcast %ne3A_231 : i32 to vector<512x8xi32>
    %ne3A_233 = arith.cmpi ne, %rem3A_230, %ne3A_232 : vector<512x8xi32>
    %and3A_234 = arith.andi %ne3A_228, %ne3A_233 : vector<512x8xi1>
    %sub3A_235 = arith.constant 1 : i32
    %sub3A_236 = vector.broadcast %sub3A_235 : i32 to vector<512x8xi32>
    %sub3A_237 = arith.subi %div3A_210, %sub3A_236 : vector<512x8xi32>
    %select_n3A_238 = arith.select %and3A_234, %sub3A_237, %div3A_210 : vector<512x8xi1>, vector<512x8xi32>
    %jit3A_239 = arith.constant 4 : i32
    %eq3A_240 = arith.constant 0 : i32
    %eq3A_241 = arith.cmpi eq, %jit3A_239, %eq3A_240 : i32
    %jit3A_242 = arith.constant 1 : i32
    %select_n3A_243 = arith.select %eq3A_241, %jit3A_242, %jit3A_239 : i32
    %rem3A_244 = vector.broadcast %select_n3A_243 : i32 to vector<512x8xi32>
    %rem3A_245 = arith.remsi %select_n3A_238, %rem3A_244 : vector<512x8xi32>
    %ne3A_246 = arith.constant 0 : i32
    %ne3A_247 = vector.broadcast %ne3A_246 : i32 to vector<512x8xi32>
    %ne3A_248 = arith.cmpi ne, %rem3A_245, %ne3A_247 : vector<512x8xi32>
    %lt3A_249 = arith.constant 0 : i32
    %lt3A_250 = vector.broadcast %lt3A_249 : i32 to vector<512x8xi32>
    %lt3A_251 = arith.cmpi slt, %rem3A_245, %lt3A_250 : vector<512x8xi32>
    %lt3A_252 = arith.constant 0 : i32
    %lt3A_253 = arith.cmpi slt, %select_n3A_243, %lt3A_252 : i32
    %ne3A_254 = vector.broadcast %lt3A_253 : i1 to vector<512x8xi1>
    %ne3A_255 = vector.broadcast %ne3A_254 : vector<512x8xi1> to vector<512x8xi1>
    %ne3A_256 = arith.xori %lt3A_251, %ne3A_255 : vector<512x8xi1>
    %and3A_257 = arith.andi %ne3A_256, %ne3A_248 : vector<512x8xi1>
    %add3A_258 = vector.broadcast %select_n3A_243 : i32 to vector<512x8xi32>
    %add3A_259 = arith.addi %rem3A_245, %add3A_258 : vector<512x8xi32>
    %select_n3A_260 = arith.select %and3A_257, %add3A_259, %rem3A_245 : vector<512x8xi1>, vector<512x8xi32>
    %eq3A_261 = arith.constant 2 : i32
    %eq3A_262 = vector.broadcast %eq3A_261 : i32 to vector<512x8xi32>
    %eq3A_263 = arith.cmpi eq, %select_n3A_260, %eq3A_262 : vector<512x8xi32>
    %and3A_264 = arith.andi %eq3A_207, %eq3A_263 : vector<512x8xi1>
    %convert_element_type3A_265 = arith.extui %and3A_264 : vector<512x8xi1> to vector<512x8xi32>
    %convert_element_type3A_266 = arith.sitofp %convert_element_type3A_265 : vector<512x8xi32> to vector<512x8xf32>
    %dot_general3A_267 = arith.constant dense<0.000000e+00> : vector<256x8xf32>
    %dot_general3A_268 = tpu.matmul %get3A_1, %convert_element_type3A_266, %dot_general3A_267 {dimension_numbers = #tpu.dot_dimension_numbers<[1], [0], [0], [1], [0, 0, 1, 1], [], []>, transpose_lhs_hint = false} : vector<256x512xf32>, vector<512x8xf32>, vector<256x8xf32> -> vector<256x8xf32>
    %jit3A_269 = arith.constant 64 : i32
    %div3A_270 = vector.broadcast %jit3A_269 : i32 to vector<512x8xi32>
    %div3A_271 = arith.divsi %iota3A, %div3A_270 : vector<512x8xi32>
    %sign3A_272 = arith.constant 0 : i32
    %sign3A_273 = vector.broadcast %sign3A_272 : i32 to vector<512x8xi32>
    %sign3A_274 = arith.cmpi sgt, %iota3A, %sign3A_273 : vector<512x8xi32>
    %sign3A_275 = arith.extui %sign3A_274 : vector<512x8xi1> to vector<512x8xi32>
    %sign3A_276 = arith.constant 0 : i32
    %sign3A_277 = vector.broadcast %sign3A_276 : i32 to vector<512x8xi32>
    %sign3A_278 = arith.cmpi slt, %iota3A, %sign3A_277 : vector<512x8xi32>
    %sign3A_279 = arith.extui %sign3A_278 : vector<512x8xi1> to vector<512x8xi32>
    %sign3A_280 = arith.subi %sign3A_275, %sign3A_279 : vector<512x8xi32>
    %sign3A_281 = arith.constant 0 : i32
    %sign3A_282 = arith.cmpi sgt, %jit3A_269, %sign3A_281 : i32
    %sign3A_283 = arith.extui %sign3A_282 : i1 to i32
    %sign3A_284 = arith.constant 0 : i32
    %sign3A_285 = arith.cmpi slt, %jit3A_269, %sign3A_284 : i32
    %sign3A_286 = arith.extui %sign3A_285 : i1 to i32
    %sign3A_287 = arith.subi %sign3A_283, %sign3A_286 : i32
    %ne3A_288 = vector.broadcast %sign3A_287 : i32 to vector<512x8xi32>
    %ne3A_289 = arith.cmpi ne, %sign3A_280, %ne3A_288 : vector<512x8xi32>
    %rem3A_290 = vector.broadcast %jit3A_269 : i32 to vector<512x8xi32>
    %rem3A_291 = arith.remsi %iota3A, %rem3A_290 : vector<512x8xi32>
    %ne3A_292 = arith.constant 0 : i32
    %ne3A_293 = vector.broadcast %ne3A_292 : i32 to vector<512x8xi32>
    %ne3A_294 = arith.cmpi ne, %rem3A_291, %ne3A_293 : vector<512x8xi32>
    %and3A_295 = arith.andi %ne3A_289, %ne3A_294 : vector<512x8xi1>
    %sub3A_296 = arith.constant 1 : i32
    %sub3A_297 = vector.broadcast %sub3A_296 : i32 to vector<512x8xi32>
    %sub3A_298 = arith.subi %div3A_271, %sub3A_297 : vector<512x8xi32>
    %select_n3A_299 = arith.select %and3A_295, %sub3A_298, %div3A_271 : vector<512x8xi1>, vector<512x8xi32>
    %eq3A_300 = arith.cmpi eq, %select_n3A_299, %iota3A_2 : vector<512x8xi32>
    %jit3A_301 = arith.constant 16 : i32
    %div3A_302 = vector.broadcast %jit3A_301 : i32 to vector<512x8xi32>
    %div3A_303 = arith.divsi %iota3A, %div3A_302 : vector<512x8xi32>
    %sign3A_304 = arith.constant 0 : i32
    %sign3A_305 = vector.broadcast %sign3A_304 : i32 to vector<512x8xi32>
    %sign3A_306 = arith.cmpi sgt, %iota3A, %sign3A_305 : vector<512x8xi32>
    %sign3A_307 = arith.extui %sign3A_306 : vector<512x8xi1> to vector<512x8xi32>
    %sign3A_308 = arith.constant 0 : i32
    %sign3A_309 = vector.broadcast %sign3A_308 : i32 to vector<512x8xi32>
    %sign3A_310 = arith.cmpi slt, %iota3A, %sign3A_309 : vector<512x8xi32>
    %sign3A_311 = arith.extui %sign3A_310 : vector<512x8xi1> to vector<512x8xi32>
    %sign3A_312 = arith.subi %sign3A_307, %sign3A_311 : vector<512x8xi32>
    %sign3A_313 = arith.constant 0 : i32
    %sign3A_314 = arith.cmpi sgt, %jit3A_301, %sign3A_313 : i32
    %sign3A_315 = arith.extui %sign3A_314 : i1 to i32
    %sign3A_316 = arith.constant 0 : i32
    %sign3A_317 = arith.cmpi slt, %jit3A_301, %sign3A_316 : i32
    %sign3A_318 = arith.extui %sign3A_317 : i1 to i32
    %sign3A_319 = arith.subi %sign3A_315, %sign3A_318 : i32
    %ne3A_320 = vector.broadcast %sign3A_319 : i32 to vector<512x8xi32>
    %ne3A_321 = arith.cmpi ne, %sign3A_312, %ne3A_320 : vector<512x8xi32>
    %rem3A_322 = vector.broadcast %jit3A_301 : i32 to vector<512x8xi32>
    %rem3A_323 = arith.remsi %iota3A, %rem3A_322 : vector<512x8xi32>
    %ne3A_324 = arith.constant 0 : i32
    %ne3A_325 = vector.broadcast %ne3A_324 : i32 to vector<512x8xi32>
    %ne3A_326 = arith.cmpi ne, %rem3A_323, %ne3A_325 : vector<512x8xi32>
    %and3A_327 = arith.andi %ne3A_321, %ne3A_326 : vector<512x8xi1>
    %sub3A_328 = arith.constant 1 : i32
    %sub3A_329 = vector.broadcast %sub3A_328 : i32 to vector<512x8xi32>
    %sub3A_330 = arith.subi %div3A_303, %sub3A_329 : vector<512x8xi32>
    %select_n3A_331 = arith.select %and3A_327, %sub3A_330, %div3A_303 : vector<512x8xi1>, vector<512x8xi32>
    %jit3A_332 = arith.constant 4 : i32
    %eq3A_333 = arith.constant 0 : i32
    %eq3A_334 = arith.cmpi eq, %jit3A_332, %eq3A_333 : i32
    %jit3A_335 = arith.constant 1 : i32
    %select_n3A_336 = arith.select %eq3A_334, %jit3A_335, %jit3A_332 : i32
    %rem3A_337 = vector.broadcast %select_n3A_336 : i32 to vector<512x8xi32>
    %rem3A_338 = arith.remsi %select_n3A_331, %rem3A_337 : vector<512x8xi32>
    %ne3A_339 = arith.constant 0 : i32
    %ne3A_340 = vector.broadcast %ne3A_339 : i32 to vector<512x8xi32>
    %ne3A_341 = arith.cmpi ne, %rem3A_338, %ne3A_340 : vector<512x8xi32>
    %lt3A_342 = arith.constant 0 : i32
    %lt3A_343 = vector.broadcast %lt3A_342 : i32 to vector<512x8xi32>
    %lt3A_344 = arith.cmpi slt, %rem3A_338, %lt3A_343 : vector<512x8xi32>
    %lt3A_345 = arith.constant 0 : i32
    %lt3A_346 = arith.cmpi slt, %select_n3A_336, %lt3A_345 : i32
    %ne3A_347 = vector.broadcast %lt3A_346 : i1 to vector<512x8xi1>
    %ne3A_348 = vector.broadcast %ne3A_347 : vector<512x8xi1> to vector<512x8xi1>
    %ne3A_349 = arith.xori %lt3A_344, %ne3A_348 : vector<512x8xi1>
    %and3A_350 = arith.andi %ne3A_349, %ne3A_341 : vector<512x8xi1>
    %add3A_351 = vector.broadcast %select_n3A_336 : i32 to vector<512x8xi32>
    %add3A_352 = arith.addi %rem3A_338, %add3A_351 : vector<512x8xi32>
    %select_n3A_353 = arith.select %and3A_350, %add3A_352, %rem3A_338 : vector<512x8xi1>, vector<512x8xi32>
    %eq3A_354 = arith.constant 3 : i32
    %eq3A_355 = vector.broadcast %eq3A_354 : i32 to vector<512x8xi32>
    %eq3A_356 = arith.cmpi eq, %select_n3A_353, %eq3A_355 : vector<512x8xi32>
    %and3A_357 = arith.andi %eq3A_300, %eq3A_356 : vector<512x8xi1>
    %convert_element_type3A_358 = arith.extui %and3A_357 : vector<512x8xi1> to vector<512x8xi32>
    %convert_element_type3A_359 = arith.sitofp %convert_element_type3A_358 : vector<512x8xi32> to vector<512x8xf32>
    %dot_general3A_360 = arith.constant dense<0.000000e+00> : vector<256x8xf32>
    %dot_general3A_361 = tpu.matmul %get3A_1, %convert_element_type3A_359, %dot_general3A_360 {dimension_numbers = #tpu.dot_dimension_numbers<[1], [0], [0], [1], [0, 0, 1, 1], [], []>, transpose_lhs_hint = false} : vector<256x512xf32>, vector<512x8xf32>, vector<256x8xf32> -> vector<256x8xf32>
    %add3A_362 = arith.constant 9.99999974E-5 : f32
    %add3A_363 = vector.broadcast %add3A_362 : f32 to vector<256x8xf32>
    %add3A_364 = arith.addf %dot_general3A_361, %add3A_363 : vector<256x8xf32>
    %div3A_365 = arith.divf %dot_general3A_82, %add3A_364 : vector<256x8xf32>
    %div3A_366 = arith.divf %dot_general3A_175, %add3A_364 : vector<256x8xf32>
    %div3A_367 = arith.divf %dot_general3A_268, %add3A_364 : vector<256x8xf32>
    %stack3A = vector.shape_cast %div3A_365 : vector<256x8xf32> to vector<256x8x1xf32>
    %stack3A_368 = vector.shape_cast %div3A_366 : vector<256x8xf32> to vector<256x8x1xf32>
    %stack3A_369 = vector.shape_cast %div3A_367 : vector<256x8xf32> to vector<256x8x1xf32>
    %stack3A_370 = tpu.concatenate %stack3A, %stack3A_368, %stack3A_369 in 2 : vector<256x8x1xf32>, vector<256x8x1xf32>, vector<256x8x1xf32> -> vector<256x8x3xf32>
    %swap3A = arith.constant 0 : index
    %swap3A_371 = arith.constant 0 : index
    %swap3A_372 = arith.constant 0 : index
    %swap3A_373 = vector.load %arg5[%swap3A, %swap3A_371, %swap3A_372] : memref<256x8x3xf32, #tpu.memory_space<vmem>>, vector<256x8x3xf32>
    tpu.vector_store %arg5[%swap3A, %swap3A_371, %swap3A_372], %stack3A_370 {strides = array<i32>} : memref<256x8x3xf32, #tpu.memory_space<vmem>>, vector<256x8x3xf32>,
    %reshape3A = vector.shape_cast %stack3A_370 : vector<256x8x3xf32> to vector<2048x3xf32>
    %get3A_374 = arith.constant 0 : index
    %get3A_375 = arith.constant 0 : index
    %get3A_376 = vector.load %arg2[%get3A_374, %get3A_375] : memref<3x128xf32, #tpu.memory_space<vmem>>, vector<3x128xf32>
    %dot_general3A_377 = arith.constant dense<0.000000e+00> : vector<2048x128xf32>
    %dot_general3A_378 = tpu.matmul %reshape3A, %get3A_376, %dot_general3A_377 {dimension_numbers = #tpu.dot_dimension_numbers<[1], [0], [0], [1], [0, 0, 1, 1], [], []>, transpose_lhs_hint = false} : vector<2048x3xf32>, vector<3x128xf32>, vector<2048x128xf32> -> vector<2048x128xf32>
    %get3A_379 = arith.constant 0 : index
    %get3A_380 = arith.constant 0 : index
    %get3A_381 = vector.load %arg3[%get3A_379, %get3A_380] : memref<1x128xf32, #tpu.memory_space<vmem>>, vector<1x128xf32>
    %add3A_382 = vector.broadcast %get3A_381 : vector<1x128xf32> to vector<2048x128xf32>
    %add3A_383 = arith.addf %dot_general3A_378, %add3A_382 : vector<2048x128xf32>
    %max3A = arith.constant 0.000000e+00 : f32
    %max3A_384 = vector.broadcast %max3A : f32 to vector<2048x128xf32>
    %max3A_385 = arith.maximumf %add3A_383, %max3A_384 : vector<2048x128xf32>
    %reshape3A_386 = vector.shape_cast %max3A_385 : vector<2048x128xf32> to vector<256x8x128xf32>
    %swap3A_387 = arith.constant 0 : index
    %swap3A_388 = arith.constant 0 : index
    %swap3A_389 = arith.constant 0 : index
    %swap3A_390 = vector.load %arg4[%swap3A_387, %swap3A_388, %swap3A_389] : memref<256x8x128xf32, #tpu.memory_space<vmem>>, vector<256x8x128xf32>
    tpu.vector_store %arg4[%swap3A_387, %swap3A_388, %swap3A_389], %reshape3A_386 {strides = array<i32>} : memref<256x8x128xf32, #tpu.memory_space<vmem>>, vector<256x8x128xf32>,
    return
  }
  func.func @transform_0(%arg0: i32) -> (i32, i32) {
    %c0_i32 = arith.constant 0 : i32
    %c0_i32_0 = arith.constant 0 : i32
    return %arg0, %c0_i32 : i32, i32
  }
  func.func @transform_1(%arg0: i32) -> (i32, i32) {
    %c0_i32 = arith.constant 0 : i32
    %c0_i32_0 = arith.constant 0 : i32
    %c0_i32_1 = arith.constant 0 : i32
    return %c0_i32, %c0_i32_0 : i32, i32
  }
  func.func @transform_2(%arg0: i32) -> (i32, i32) {
    %c0_i32 = arith.constant 0 : i32
    %c0_i32_0 = arith.constant 0 : i32
    %c0_i32_1 = arith.constant 0 : i32
    return %c0_i32, %c0_i32_0 : i32, i32
  }
  func.func @transform_3(%arg0: i32) -> (i32, i32, i32) {
    %c0_i32 = arith.constant 0 : i32
    %c0_i32_0 = arith.constant 0 : i32
    %c0_i32_1 = arith.constant 0 : i32
    return %arg0, %c0_i32, %c0_i32_0 : i32, i32, i32
  }
  func.func @transform_4(%arg0: i32) -> (i32, i32, i32) {
    %c0_i32 = arith.constant 0 : i32
    %c0_i32_0 = arith.constant 0 : i32
    %c0_i32_1 = arith.constant 0 : i32
    return %arg0, %c0_i32, %c0_i32_0 : i32, i32, i32
  }
}

</mosaic_0001>

<sc_bundles>
// kernel: kernel.5.cloned.1.call-start
scs
__scs_entry_jumppad:
0x0: {  	(pc) =	sbr.rel $0x88, $3  }
0x1: {  	(tag) =	ssettag $0x0;
	lr =	simm.s32 $0x1  }
0x2: {  	[smem:$0x3F9E] =	sst lr;
	_ =	strace $0xD0000000  }
0x3: {  	_ = 	snop  }
0x4: {  	_ = 	snop  }
0x5: {  	_ = 	snop  }
0x6: {  	_ = 	snop  }
0x7: {  	_ = 	snop  }
__scs_overlays_trampoline_lowered:
0x8: {  	[smem:$0x3FAD] =	sst s0  }
0x9: {  	[smem:$0x3FAE] =	sst s1  }
0xa: {  	[smem:$0x3FAF] =	sst s2  }
0xb: {  	[smem:$0x3FB0] =	sst s3  }
0xc: {  	[smem:$0x3FB1] =	sst s4  }
0xd: {  	[smem:$0x3FB2] =	sst s5  }
0xe: {  	[smem:$0x3FB3] =	sst s6  }
0xf: {  	[smem:$0x3FB4] =	sst s7  }
0x10: {  	[smem:$0x3FB5] =	sst s8  }
0x11: {  	[smem:$0x3FB6] =	sst s9;
	s0 =	simm.s32 @!p0 $0x0  }
0x12: {  	s1 =	sld [smem:$0x3F9C];
	s0 =	simm.s32 @p0 $0x1  }
0x13: {  	[smem:$0x3FB7] =	sst s0;
	s0 =	simm.s32 @!p1 $0x0  }
0x14: {  	s2 =	sld [smem:$0x3F9B];
	s0 =	simm.s32 @p1 $0x1  }
0x15: {  	[smem:$0x3FB8] =	sst s0;
	s0 =	simm.s32 @!p2 $0x0  }
0x16: {  	s3 =	sld [smem:$0x3FDB];
	s0 =	simm.s32 @p2 $0x1  }
0x17: {  	s4 =	simm.s32 $0x1BF5;
	[smem:$0x3FBA] =	sst s0  }
0x18: {  	s0 =	sld [smem:$0x3F9D];
	_ =	swait.ge [sflag:s4], $0x0  }
0x19: {  	s7 =	sld [smem:$0x3F9E]  }
0x1a: {  	s8 =	sadd.s32 $0xFFFFE003, lr  }
0x1b: {  	s9 =	sadd.s32 $0xFFFFFEF7, lr;
	s5 =	simm.s32 $0xFFFFFFFF;
	p2 =	slt.u32 s8, $0xFFFFF086  }
0x1c: {  	p1 =	slt.u32 s9, $0xF7A;
	s5 =	simm.s32 @!p2 $0x0  }
0x1d: {  	s5 =	simm.s32 @p1 $0x1;
	p0 =	seq.s32 s7, s2  }
0x1e: {  	s7 =	smul.u32 @!p0 $0xF7A, s2;
	p2 =	seq.s32 @!p0 s5, $0x0  }
0x1f: {  	s9 =	smul.u32 $0xF7A, s1;
	s8 =	simm.s32 @!p0 $0x1BF5;
	p2 =	por !p2, p0  }
0x20: {  	[sflag:s8] =	ssyncset.s32 @!p0 $0xFFFFF086;
	s6 =	sadd.s32 @!p0 s3, s7;
	s7 =	simm.s32 @!p0 $0x108  }
0x21: {  	s3 =	sadd.s32 s3, s9;
	s6 =	sadd.s32 @!p0 $0x88, s6;
	s7 =	simm.s32 @p2 $0x1082  }
0x22: {  	[simem:s7], [sflag:s8] =	dma.local @!p0 [hbm:s6], $0xF7A  }
0x23: {  	s9 =	sor.u32 $0xD0000000, s2;
	s6 =	simm.s32 $0x108;
	_ =	swait.ge @!p0 [sflag:s8], $0x0  }
0x24: {  	s3 =	sadd.s32 $0x88, s3;
	s6 =	simm.s32 @!p1 $0x1082;
	[sflag:s4] =	ssyncset.s32 $0xFFFFF086  }
0x25: {  	[simem:s6], [sflag:s4] =	dma.local [hbm:s3], $0xF7A  }
0x26: {  	[smem:$0x3F9E] =	sst s1;
	(tag) =	ssettag s2;
	_ =	strace s9  }
0x27: {  	s1 =	sld [smem:$0x3FAE]  }
0x28: {  	s2 =	sld [smem:$0x3FAF]  }
0x29: {  	s4 =	sld [smem:$0x3FB1]  }
0x2a: {  	p0 =	seq.s32 s5, $0x0;
	s5 =	sld [smem:$0x3FB2]  }
0x2b: {  	s6 =	sld [smem:$0x3FB3]  }
0x2c: {  	s7 =	sld [smem:$0x3FB4]  }
0x2d: {  	s3 =	simm.s32 $0x108;
	s8 =	sld [smem:$0x3FB5]  }
0x2e: {  	s3 =	simm.s32 @!p0 $0x1082;
	s9 =	sld [smem:$0x3FB6]  }
0x2f: {  	lr =	sadd.s32 s0, s3;
	s0 =	sld [smem:$0x3FAD]  }
0x30: {  	s3 =	sld [smem:$0x3FB0]  }
0x31: {  	[smem:$0x3FB9] =	sst s10  }
0x32: {  	s10 =	sld [smem:$0x3FB7];
	_ =	sdelay $0x3  }
0x33: {  	p0 =	seq.s32 s10, $0x1;
	s10 =	sld [smem:$0x3FB9];
	_ =	sdelay $0x3  }
0x34: {  	[smem:$0x3FB9] =	sst s10  }
0x35: {  	s10 =	sld [smem:$0x3FB8];
	_ =	sdelay $0x3  }
0x36: {  	p1 =	seq.s32 s10, $0x1;
	s10 =	sld [smem:$0x3FB9];
	_ =	sdelay $0x3  }
0x37: {  	[smem:$0x3FB9] =	sst s10  }
0x38: {  	s10 =	sld [smem:$0x3FBA]  }
0x39: {  	_ = 	snop;
	(pc) =	sbr.ind lr, $3  }
0x3a: {  	_ = 	snop  }
0x3b: {  	_ = 	snop  }
0x3c: {  	p2 =	seq.s32 s10, $0x1;
	s10 =	sld [smem:$0x3FB9]  }
0x3d: {  	_ =	shalt  }
0x3e: {  	_ =	shalt  }
0x3f: {  	_ =	shalt  }
0x40: {  	_ =	shalt  }
0x41: {  	_ =	shalt  }
0x42: {  	_ =	shalt  }
0x43: {  	_ =	shalt  }
0x44: {  	_ =	shalt  }
0x45: {  	_ =	shalt  }
0x46: {  	_ =	shalt  }
0x47: {  	_ =	shalt  }
0x48: {  	_ =	shalt  }
0x49: {  	_ =	shalt  }
0x4a: {  	_ =	shalt  }
0x4b: {  	_ =	shalt  }
0x4c: {  	_ =	shalt  }
0x4d: {  	_ =	shalt  }
0x4e: {  	_ =	shalt  }
0x4f: {  	_ =	shalt  }
0x50: {  	_ =	shalt  }
0x51: {  	_ =	shalt  }
0x52: {  	_ =	shalt  }
0x53: {  	_ =	shalt  }
0x54: {  	_ =	shalt  }
0x55: {  	_ =	shalt  }
0x56: {  	_ =	shalt  }
0x57: {  	_ =	shalt  }
0x58: {  	_ =	shalt  }
0x59: {  	_ =	shalt  }
0x5a: {  	_ =	shalt  }
0x5b: {  	_ =	shalt  }
0x5c: {  	_ =	shalt  }
0x5d: {  	_ =	shalt  }
0x5e: {  	_ =	shalt  }
0x5f: {  	_ =	shalt  }
0x60: {  	_ =	shalt  }
0x61: {  	_ =	shalt  }
0x62: {  	_ =	shalt  }
0x63: {  	_ =	shalt  }
0x64: {  	_ =	shalt  }
0x65: {  	_ =	shalt  }
0x66: {  	_ =	shalt  }
0x67: {  	_ =	shalt  }
0x68: {  	_ =	shalt  }
0x69: {  	_ =	shalt  }
0x6a: {  	_ =	shalt  }
0x6b: {  	_ =	shalt  }
0x6c: {  	_ =	shalt  }
0x6d: {  	_ =	shalt  }
0x6e: {  	_ =	shalt  }
0x6f: {  	_ =	shalt  }
0x70: {  	_ =	shalt  }
0x71: {  	_ =	shalt  }
0x72: {  	_ =	shalt  }
0x73: {  	_ =	shalt  }
0x74: {  	_ =	shalt  }
0x75: {  	_ =	shalt  }
0x76: {  	_ =	shalt  }
0x77: {  	_ =	shalt  }
0x78: {  	_ =	shalt  }
0x79: {  	_ =	shalt  }
0x7a: {  	_ =	shalt  }
0x7b: {  	_ =	shalt  }
0x7c: {  	_ =	shalt  }
0x7d: {  	_ =	shalt  }
0x7e: {  	_ =	shalt  }
0x7f: {  	_ =	shalt  }
0x80: {  	_ =	shalt  }
0x81: {  	_ =	shalt  }
0x82: {  	_ =	shalt  }
0x83: {  	_ =	shalt  }
0x84: {  	_ =	shalt  }
0x85: {  	_ =	shalt  }
0x86: {  	_ =	shalt  }
0x87: {  	_ =	shalt  }
.Lfunc_end0:
.L_simem_size_0:
called_computation_lowered:
.L_overlay_start_0:
0x88: {  	s2 =	sld [smem:$0x3FD9]  }
0x89: {  	s3 =	sld [smem:$0x3FFE];
	_ =	sdelay $0x1  }
0x8a: {  	s1 =	srdreg.scid  }
0x8b: {  	s0 =	sand.u32 $0x1, s1  }
0x8c: {  	s14 =	sshll.u32 s0, $0xA;
	s2 =	sadd.s32 s3, s2  }
0x8d: {  	s2 =	sadd.s32 s2, s14  }
0x8e: {  	[smem:$0x3FC5] =	sst s2  }
0x8f: {  	_ = 	snop  }
0x90: {  	s2 =	sld [smem:$0x3FD0];
	_ =	sdelay $0x2  }
0x91: {  	s15 =	simm.s32 $0xA;
	s4 =	simm.s32 $0x10  }
0x92: {  	[smem:s4], [sflag:s15] =	dma.local [hbm:s2], $0x1  }
0x93: {  	_ =	swait.eq [sflag:s15], $0x1  }
0x94: {  	[sflag:s15] =	ssyncset.done $0x0  }
0x95: {  	[sflag:s15] =	ssyncadd.s32 $0xFFFFFFFF  }
0x96: {  	s16 =	sld [smem:$0x10];
	(tm) =	ssettm $0x1  }
0x97: {  	s17 =	sld [smem:$0x3FFB];
	_ =	sdelay $0x3  }
0x98: {  	_ =	strace s17  }
0x99: {  	s3 =	sld [smem:$0x3FFC];
	_ =	sdelay $0x3  }
0x9a: {  	_ =	strace s3  }
0x9b: {  	s3 =	sld [smem:$0x3FFD];
	_ =	sdelay $0x3  }
0x9c: {  	_ =	strace s3  }
0x9d: {  	_ =	strace $0x8FFFFFFF  }
0x9e: {  	s18 =	sld [smem:$0x3FDB];
	_ =	sdelay $0x1  }
0x9f: {  	s19 =	simm.s32 $_scs_section_size  }
0xa0: {  	s5 =	simm.s32 $_size__tile_overlayer_lowered;
	s6 =	simm.s32 $_tile_overlayer_lowered  }
0xa1: {  	s22 =	simm.s32 $0x1BFF;
	s21 =	sshll.u32 s6, $0x1;
	s3 =	sadd.s32 s19, s18  }
0xa2: {  	s7 =	simm.s32 $0x0;
	s20 =	sshll.u32 s5, $0x1;
	s5 =	sadd.s32 s21, s3  }
0xa3: {  	[timem:s7], [sflag:s22] =	dma.local [hbm:s5], s20  }
0xa4: {  	_ =	swait.ge [sflag:s22], s20  }
0xa5: {  	s4 =	ssub.s32 $0x0, s20;
	[sflag:s22] =	ssyncset.done $0x0  }
0xa6: {  	[sflag:s22] =	ssyncadd.s32 s4;
	_ =	sdelay $0x1  }
0xa7: {  	s23 =	simm.s32 $0x1B8B  }
0xa8: {  	_ =	swait.ge [sflag:s23], $0x1  }
0xa9: {  	[sflag:s23] =	ssyncset.done $0x0  }
0xaa: {  	s25 =	simm.s32 $0x1B8E;
	s24 =	sld [smem:$0x3FFE];
	[sflag:s23] =	ssyncadd.s32 $0xFFFFFFFF  }
0xab: {  	s26 =	simm.s32 $execute0_lowered;
	[smem:$0x3FD2] =	sst s25  }
0xac: {  	s5 =	sshll.u32 s26, $0x1;
	_ =	strace $0x80000046;
	[dreg:$0x1] =	wrdreg $0xFFFFFFFF  }
0xad: {  	s28 =	simm.s32 $_size_execute0_lowered;
	s3 =	sadd.s32 s3, s5;
	[dreg:$0x0] =	wrdreg $0x0  }
0xae: {  	s5 =	sshll.u32 s28, $0x1;
	[dreg:$0x2] =	wrdreg s3  }
0xaf: {  	[dreg:$0x3] =	wrdreg s5  }
0xb0: {  	[dreg:$0x4] =	wrdreg $0xC0  }
0xb1: {  	_ =	task [dreg:s7], $0x5FFFF  }
0xb2: {  	[dreg:$0x1] =	wrdreg $0xFFFFFFFF  }
0xb3: {  	[dreg:$0x0] =	wrdreg $0x60  }
0xb4: {  	[dreg:$0x2] =	wrdreg s24  }
0xb5: {  	[dreg:$0x3] =	wrdreg s16  }
0xb6: {  	[dreg:$0x4] =	wrdreg $0x9  }
0xb7: {  	_ =	task.clear_ibuf [dreg:s7], $0x5FFFF;
	_ =	strace $0x90000046  }
0xb8: {  	s29 =	simm.s32 $0x9;
	_ =	strace $0x80000048  }
0xb9: {  	_ =	swait.ge [sflag:s29], $0x1  }
0xba: {  	[sflag:s29] =	ssyncadd.s32 $0xFFFFFFFF  }
0xbb: {  	_ =	strace $0x90000048  }
0xbc: {  	_ =	sfence  }
0xbd: {  	s30 =	sld [smem:$0x0];
	_ =	sdelay $0x2  }
0xbe: {  	s31 =	sshll.u32 s1, $0xD;
	s1 =	sshrl.u32 s1, $0x2  }
0xbf: {  	s3 =	sand.u32 $0x4000, s31;
	s1 =	sadd.s32 s1, s30  }
0xc0: {  	s0 =	sor.u32 s3, s0;
	s1 =	sshll.u32 s1, $0x11  }
0xc1: {  	s0 =	sor.u32 s1, s0  }
0xc2: {  	s0 =	sadd.s32 $0x8F2B, s0  }
0xc3: {  	[sflag:s0] =	ssyncadd.remote.s32 $0x1  }
0xc4: {  	_ =	sfence.sel $0xFFFF  }
0xc5: {  	[dreg:$0x0] =	wrdreg $0xFFFFFFFF;
	(pc) =	sbr.abs _section_cstart, $3  }
0xc6: {  	[dreg:$0x1] =	wrdreg $0xFFFFFFFF  }
0xc7: {  	_ =	task.clear_ibuf [dreg:s7], $0x2FFFF;
	_ =	strace $0x9FFFFFFF  }
0xc8: {  	(tm) =	ssettm $0x7FFFFFFF  }
0xc9: {  	_ =	shalt  }
tec
execute0_lowered:
.L_overlay_start_1:
0x0: {  	(tag) =	ssettag $0x1  }
0x1: {  	s7 =	rddreg [dreg:$0x0]  }
0x2: {  	s1 =	rddreg [dreg:$0x1]  }
0x3: {  	s0 =	rddreg [dreg:$0x2];
	s2 =	simm.s32 $0x0;
	s3 =	srdreg.scid  }
0x4: {  	s11 =	simm.s32 $0x1980;
	s12 =	simm.s32 $0x3300;
	s13 =	simm.s32 $0x4C80  }
0x5: {  	s14 =	simm.s32 $0x6600;
	s15 =	simm.s32 $0x0;
	[smem:$0x7FF] =	sst s2  }
0x6: {  	s8 =	sand.u32 $0x1, s3;
	s4 =	sadd.s32 $0x41C00, s7;
	s5 =	sadd.s32 $0x73C00, s7  }
0x7: {  	s6 =	sadd.s32 $0xA5C00, s7;
	s3 =	stileid.u32;
	s9 =	ssub.s32 $0x2, s8  }
0x8: {  	v0 =	vlaneseq.u32;
	s7 =	sadd.s32 $0x1C00, s7;
	_ =	strace $0x80000047;
	s10 =	sshrl.u32 s9, $0x1  }
0x9: {  	v1 =	vimm.f32 $0.0e+00;
	v5 =	vimm.f32 $1.000000000e+00;
	vm0 =	vmmov $0xf;
	s8 =	sshll.u32 s8, $0xD;
	s31 =	sshll.u32 s3, $0x9;
	s9 =	ssub.s32 s9, s10  }
0xa: {  	v2 =	vor.u32 $0x10, v0;
	v3 =	vor.u32 $0x20, v0;
	v4 =	vor.u32 $0x30, v0;
	s8 =	sor.u32 s31, s8;
	s10 =	simm.s32 $0x1;
	s9 =	smax.u32 s9, $0x1  }
.LBB2_1:
0xb: {  	s16 =	simm.s32 $0x0  }
.LBB2_2:
0xc: {  	s17 =	sshll.u32 s16, $0x6  }
0xd: {  	s17 =	sadd.s32 s8, s17  }
0xe: {  	s18 =	smul.u32 $0x64, s17;
	_ =	sdelay $0x1  }
0xf: {  	s19 =	sshrl.u32 s18, $0x3  }
0x10: {  	s18 =	simm.s32 $0x0;
	s20 =	sadd.s32 s4, s19  }
0x11: {  	[tilespmem:s18], [sflag:$0x1] =	stream.linear.gather [hbm4b:s20+s18], $0x1900, $0x38;
	[tilespmem:$0xE600] =	vst v63  }
0x12: {  	_ =	swait.ge [sflag:s10], $0x1900  }
0x13: {  	[sflag:s10] =	ssyncset.done $0x0  }
0x14: {  	s30 =	sadd.s32 s5, s19;
	[sflag:s10] =	ssyncadd.s32 $0xFFFFE700  }
0x15: {  	[tilespmem:s11], [sflag:$0x1] =	stream.linear.gather [hbm4b:s30+s18], $0x1900, $0x38;
	[tilespmem:$0xE600] =	vst v63  }
0x16: {  	_ =	swait.ge [sflag:s10], $0x1900  }
0x17: {  	[sflag:s10] =	ssyncset.done $0x0  }
0x18: {  	s31 =	sadd.s32 s6, s19;
	[sflag:s10] =	ssyncadd.s32 $0xFFFFE700  }
0x19: {  	[tilespmem:s12], [sflag:$0x1] =	stream.linear.gather [hbm4b:s31+s18], $0x1900, $0x38;
	[tilespmem:$0xE600] =	vst v63  }
0x1a: {  	_ =	swait.ge [sflag:s10], $0x1900  }
0x1b: {  	[sflag:s10] =	ssyncset.done $0x0  }
0x1c: {  	s19 =	sadd.s32 s7, s19;
	[sflag:s10] =	ssyncadd.s32 $0xFFFFE700  }
0x1d: {  	[tilespmem:s13], [sflag:$0x1] =	stream.linear.gather [hbm4b:s19+s18], $0x1900, $0x38;
	[tilespmem:$0xE600] =	vst v63  }
0x1e: {  	_ =	swait.ge [sflag:s10], $0x1900  }
0x1f: {  	[sflag:s10] =	ssyncset.done $0x0  }
0x20: {  	s20 =	simm.s32 $0x200;
	s19 =	simm.s32 $0x0;
	[sflag:s10] =	ssyncadd.s32 $0xFFFFE700  }
.LBB2_3:
0x21: {  	p0 =	sne.s32 s20, $0x1FE00;
	[tilespmem:s19+$0x6670] =	vst v1  }
0x22: {  	[tilespmem:s19+$0x6600] =	vst v1  }
0x23: {  	[tilespmem:s19+$0x6610] =	vst v1  }
.Ltmp0:
0x24: {  	[tilespmem:s19+$0x6620] =	vst v1;
	(pc) =	sbr.rel @p0 .LBB2_3-.Ltmp0, $4  }
0x25: {  	[tilespmem:s19+$0x6630] =	vst v1  }
0x26: {  	[tilespmem:s19+$0x6640] =	vst v1  }
0x27: {  	[tilespmem:s19+$0x6650] =	vst v1  }
0x28: {  	[tilespmem:s19+$0x6660] =	vst v1;
	s19 =	sshra.s32 s20, $0x2;
	s20 =	sadd.s32 $0x200, s20  }
0x29: {  	[tilespmem:s19+$0x6670] =	vst v1  }
0x2a: {  	[tilespmem:s19+$0x6600] =	vst v1  }
0x2b: {  	[tilespmem:s19+$0x6610] =	vst v1  }
0x2c: {  	[tilespmem:s19+$0x6620] =	vst v1  }
0x2d: {  	[tilespmem:s19+$0x6630] =	vst v1  }
0x2e: {  	[tilespmem:s19+$0x6640] =	vst v1  }
0x2f: {  	[tilespmem:s19+$0x6650] =	vst v1  }
0x30: {  	[tilespmem:s19+$0x6660] =	vst v1;
	s19 =	simm.s32 $0x60  }
.LBB2_5:
0x31: {  	s20 =	sadd.s32 $0xFFFFFFA0, s19  }
0x32: {  	v6 =	vadd.s32 s20, v0;
	_ =	sdelay $0x4  }
0x33: {  	v7 =	vld.idx.msk [tilespmem:v6+s13+$0x0], $0xffff;
	_ =	sdelay $0x4  }
0x34: {  	vm1 =	vlt.s32 v7, $0x8;
	v7 =	vshll.u32 v7, $0x6  }
0x35: {  	v7 =	vnsel vm1, $0x0, v7  }
0x36: {  	v8 =	vadd.s32 s18, v7;
	v10 =	vor.u32 v2, v7;
	v12 =	vor.u32 v3, v7  }
0x37: {  	v11 =	vld.idx.msk [tilespmem:v6+s2+$0x0], $0xffff;
	v9 =	vor.u32 v0, v8;
	v8 =	vand.u32 $0xFFFFFF80, v8;
	v10 =	vand.u32 $0x5F, v10  }
0x38: {  	v13 =	vld.idx.msk [tilespmem:v6+s11+$0x0], $0xffff;
	v7 =	vor.u32 v4, v7;
	v12 =	vand.u32 $0x6F, v12;
	v10 =	vor.u32 v10, v8  }
0x39: {  	v6 =	vld.idx.msk [tilespmem:v6+s12+$0x0], $0xffff;
	v7 =	vand.u32 $0x7F, v7;
	v12 =	vor.u32 v12, v8  }
0x3a: {  	s26 =	sadd.s32 $0xFFFFFFB0, s19;
	v7 =	vor.u32 v7, v8  }
0x3b: {  	v40 =	vadd.s32 s26, v0  }
0x3c: {  	[tilespmem:v9+s14+$0x0] =	vst.idx.add.f32.msk vm1, v11  }
0x3d: {  	[tilespmem:v10+s14+$0x0] =	vst.idx.add.f32.msk vm1, v13  }
0x3e: {  	[tilespmem:v12+s14+$0x0] =	vst.idx.add.f32.msk vm1, v6  }
0x3f: {  	[tilespmem:v7+s14+$0x0] =	vst.idx.add.f32.msk vm1, v5  }
0x40: {  	v6 =	vld.idx.msk [tilespmem:v40+s13+$0x0], $0xffff;
	_ =	sdelay $0x4  }
0x41: {  	vm1 =	vlt.s32 v6, $0x8;
	v6 =	vshll.u32 v6, $0x6  }
0x42: {  	v6 =	vnsel vm1, $0x0, v6  }
0x43: {  	v7 =	vadd.s32 s18, v6;
	v42 =	vor.u32 v2, v6;
	v43 =	vor.u32 v3, v6  }
0x44: {  	v11 =	vld.idx.msk [tilespmem:v40+s2+$0x0], $0xffff;
	v41 =	vor.u32 v0, v7;
	v7 =	vand.u32 $0xFFFFFF80, v7;
	v10 =	vand.u32 $0x5F, v42  }
0x45: {  	v13 =	vld.idx.msk [tilespmem:v40+s11+$0x0], $0xffff;
	v6 =	vor.u32 v4, v6;
	v12 =	vand.u32 $0x6F, v43;
	v10 =	vor.u32 v10, v7  }
0x46: {  	v8 =	vld.idx.msk [tilespmem:v40+s12+$0x0], $0xffff;
	v6 =	vand.u32 $0x7F, v6;
	v12 =	vor.u32 v12, v7  }
0x47: {  	s28 =	sadd.s32 $0xFFFFFFC0, s19;
	v6 =	vor.u32 v6, v7  }
0x48: {  	v7 =	vadd.s32 s28, v0  }
0x49: {  	[tilespmem:v41+s14+$0x0] =	vst.idx.add.f32.msk vm1, v11  }
0x4a: {  	[tilespmem:v10+s14+$0x0] =	vst.idx.add.f32.msk vm1, v13  }
0x4b: {  	[tilespmem:v12+s14+$0x0] =	vst.idx.add.f32.msk vm1, v8  }
0x4c: {  	[tilespmem:v6+s14+$0x0] =	vst.idx.add.f32.msk vm1, v5  }
0x4d: {  	v6 =	vld.idx.msk [tilespmem:v7+s13+$0x0], $0xffff;
	_ =	sdelay $0x4  }
0x4e: {  	vm1 =	vlt.s32 v6, $0x8;
	v6 =	vshll.u32 v6, $0x6  }
0x4f: {  	v6 =	vnsel vm1, $0x0, v6  }
0x50: {  	v44 =	vadd.s32 s18, v6;
	v46 =	vor.u32 v2, v6;
	v47 =	vor.u32 v3, v6  }
0x51: {  	v11 =	vld.idx.msk [tilespmem:v7+s2+$0x0], $0xffff;
	v45 =	vor.u32 v0, v44;
	v8 =	vand.u32 $0xFFFFFF80, v44;
	v10 =	vand.u32 $0x5F, v46  }
0x52: {  	v13 =	vld.idx.msk [tilespmem:v7+s11+$0x0], $0xffff;
	v6 =	vor.u32 v4, v6;
	v12 =	vand.u32 $0x6F, v47;
	v10 =	vor.u32 v10, v8  }
0x53: {  	v7 =	vld.idx.msk [tilespmem:v7+s12+$0x0], $0xffff;
	v6 =	vand.u32 $0x7F, v6;
	v12 =	vor.u32 v12, v8  }
0x54: {  	s29 =	sadd.s32 $0xFFFFFFD0, s19;
	v6 =	vor.u32 v6, v8  }
0x55: {  	v48 =	vadd.s32 s29, v0  }
0x56: {  	[tilespmem:v45+s14+$0x0] =	vst.idx.add.f32.msk vm1, v11  }
0x57: {  	[tilespmem:v10+s14+$0x0] =	vst.idx.add.f32.msk vm1, v13  }
0x58: {  	[tilespmem:v12+s14+$0x0] =	vst.idx.add.f32.msk vm1, v7  }
0x59: {  	[tilespmem:v6+s14+$0x0] =	vst.idx.add.f32.msk vm1, v5  }
0x5a: {  	v6 =	vld.idx.msk [tilespmem:v48+s13+$0x0], $0xffff;
	_ =	sdelay $0x4  }
0x5b: {  	vm1 =	vlt.s32 v6, $0x8;
	v6 =	vshll.u32 v6, $0x6  }
0x5c: {  	v6 =	vnsel vm1, $0x0, v6  }
0x5d: {  	v7 =	vadd.s32 s18, v6;
	v50 =	vor.u32 v2, v6;
	v51 =	vor.u32 v3, v6  }
0x5e: {  	v11 =	vld.idx.msk [tilespmem:v48+s2+$0x0], $0xffff;
	v49 =	vor.u32 v0, v7;
	v7 =	vand.u32 $0xFFFFFF80, v7;
	v10 =	vand.u32 $0x5F, v50  }
0x5f: {  	v13 =	vld.idx.msk [tilespmem:v48+s11+$0x0], $0xffff;
	v6 =	vor.u32 v4, v6;
	v12 =	vand.u32 $0x6F, v51;
	v10 =	vor.u32 v10, v7  }
0x60: {  	v8 =	vld.idx.msk [tilespmem:v48+s12+$0x0], $0xffff;
	v6 =	vand.u32 $0x7F, v6;
	v12 =	vor.u32 v12, v7  }
0x61: {  	s30 =	sadd.s32 $0xFFFFFFE0, s19;
	v6 =	vor.u32 v6, v7  }
0x62: {  	v7 =	vadd.s32 s30, v0  }
0x63: {  	[tilespmem:v49+s14+$0x0] =	vst.idx.add.f32.msk vm1, v11  }
0x64: {  	[tilespmem:v10+s14+$0x0] =	vst.idx.add.f32.msk vm1, v13  }
0x65: {  	[tilespmem:v12+s14+$0x0] =	vst.idx.add.f32.msk vm1, v8  }
0x66: {  	[tilespmem:v6+s14+$0x0] =	vst.idx.add.f32.msk vm1, v5  }
0x67: {  	v6 =	vld.idx.msk [tilespmem:v7+s13+$0x0], $0xffff;
	_ =	sdelay $0x4  }
0x68: {  	vm1 =	vlt.s32 v6, $0x8;
	v6 =	vshll.u32 v6, $0x6  }
0x69: {  	v6 =	vnsel vm1, $0x0, v6  }
0x6a: {  	v52 =	vadd.s32 s18, v6;
	v54 =	vor.u32 v2, v6;
	v55 =	vor.u32 v3, v6  }
0x6b: {  	v11 =	vld.idx.msk [tilespmem:v7+s2+$0x0], $0xffff;
	v53 =	vor.u32 v0, v52;
	v8 =	vand.u32 $0xFFFFFF80, v52;
	v10 =	vand.u32 $0x5F, v54  }
0x6c: {  	v13 =	vld.idx.msk [tilespmem:v7+s11+$0x0], $0xffff;
	v6 =	vor.u32 v4, v6;
	v12 =	vand.u32 $0x6F, v55;
	v10 =	vor.u32 v10, v8  }
0x6d: {  	v7 =	vld.idx.msk [tilespmem:v7+s12+$0x0], $0xffff;
	v6 =	vand.u32 $0x7F, v6;
	v12 =	vor.u32 v12, v8  }
0x6e: {  	s31 =	sadd.s32 $0xFFFFFFF0, s19;
	v6 =	vor.u32 v6, v8  }
0x6f: {  	v56 =	vadd.s32 s31, v0  }
0x70: {  	[tilespmem:v53+s14+$0x0] =	vst.idx.add.f32.msk vm1, v11  }
0x71: {  	[tilespmem:v10+s14+$0x0] =	vst.idx.add.f32.msk vm1, v13  }
0x72: {  	[tilespmem:v12+s14+$0x0] =	vst.idx.add.f32.msk vm1, v7  }
0x73: {  	[tilespmem:v6+s14+$0x0] =	vst.idx.add.f32.msk vm1, v5  }
0x74: {  	v6 =	vld.idx.msk [tilespmem:v56+s13+$0x0], $0xffff;
	_ =	sdelay $0x4  }
0x75: {  	vm1 =	vlt.s32 v6, $0x8;
	v6 =	vshll.u32 v6, $0x6  }
0x76: {  	v6 =	vnsel vm1, $0x0, v6  }
0x77: {  	v7 =	vadd.s32 s18, v6;
	v58 =	vor.u32 v2, v6;
	v59 =	vor.u32 v3, v6  }
0x78: {  	v11 =	vld.idx.msk [tilespmem:v56+s2+$0x0], $0xffff;
	v57 =	vor.u32 v0, v7;
	v7 =	vand.u32 $0xFFFFFF80, v7;
	v10 =	vand.u32 $0x5F, v58  }
0x79: {  	v13 =	vld.idx.msk [tilespmem:v56+s11+$0x0], $0xffff;
	v6 =	vor.u32 v4, v6;
	v12 =	vand.u32 $0x6F, v59;
	v10 =	vor.u32 v10, v7  }
0x7a: {  	v8 =	vld.idx.msk [tilespmem:v56+s12+$0x0], $0xffff;
	v6 =	vand.u32 $0x7F, v6;
	v12 =	vor.u32 v12, v7  }
0x7b: {  	v6 =	vor.u32 v6, v7  }
0x7c: {  	v7 =	vadd.s32 s19, v0  }
0x7d: {  	[tilespmem:v57+s14+$0x0] =	vst.idx.add.f32.msk vm1, v11  }
0x7e: {  	[tilespmem:v10+s14+$0x0] =	vst.idx.add.f32.msk vm1, v13  }
0x7f: {  	[tilespmem:v12+s14+$0x0] =	vst.idx.add.f32.msk vm1, v8  }
0x80: {  	[tilespmem:v6+s14+$0x0] =	vst.idx.add.f32.msk vm1, v5  }
0x81: {  	v6 =	vld.idx.msk [tilespmem:v7+s13+$0x0], $0xffff;
	_ =	sdelay $0x4  }
0x82: {  	vm1 =	vlt.s32 v6, $0x8  }
0x83: {  	v6 =	vshll.u32 v6, $0x6;
	vm1 =	vmand vm1, vm0  }
0x84: {  	v6 =	vnsel vm1, $0x0, v6  }
0x85: {  	v60 =	vadd.s32 s18, v6;
	v62 =	vor.u32 v2, v6;
	v63 =	vor.u32 v3, v6  }
0x86: {  	v11 =	vld.idx.msk [tilespmem:v7+s2+$0x0], $0xffff;
	v61 =	vor.u32 v0, v60;
	v8 =	vand.u32 $0xFFFFFF80, v60;
	v10 =	vand.u32 $0x5F, v62  }
0x87: {  	v13 =	vld.idx.msk [tilespmem:v7+s11+$0x0], $0xffff;
	v6 =	vor.u32 v4, v6;
	v12 =	vand.u32 $0x6F, v63;
	v10 =	vor.u32 v10, v8  }
0x88: {  	v7 =	vld.idx.msk [tilespmem:v7+s12+$0x0], $0xffff;
	v6 =	vand.u32 $0x7F, v6;
	v12 =	vor.u32 v12, v8  }
0x89: {  	p0 =	sne.s32 s19, $0x18FC;
	v6 =	vor.u32 v6, v8  }
.Ltmp1:
0x8a: {  	_ = 	snop;
	(pc) =	sbr.rel @p0 .LBB2_5-.Ltmp1, $4  }
0x8b: {  	[tilespmem:v61+s14+$0x0] =	vst.idx.add.f32.msk vm1, v11  }
0x8c: {  	[tilespmem:v10+s14+$0x0] =	vst.idx.add.f32.msk vm1, v13  }
0x8d: {  	[tilespmem:v12+s14+$0x0] =	vst.idx.add.f32.msk vm1, v7  }
0x8e: {  	s19 =	sadd.s32 $0x64, s19;
	s18 =	sadd.s32 $0x200, s18;
	[tilespmem:v6+s14+$0x0] =	vst.idx.add.f32.msk vm1, v5  }
0x8f: {  	s16 =	sadd.s32 $0x1, s16  }
0x90: {  	s17 =	sshll.u32 s17, $0x6;
	p0 =	sne.s32 s16, $0x8  }
.Ltmp2:
0x91: {  	s17 =	sadd.s32 s1, s17;
	(pc) =	sbr.rel @p0 .LBB2_2-.Ltmp2, $4  }
0x92: {  	[hbm4b:s17+s2] =	stream.linear.scatter [tilespmem:s14], [sflag:$0x1], $0x8000, $0x38;
	[tilespmem:$0xE600] =	vst v63  }
0x93: {  	_ =	swait.ge [sflag:s10], $0x8000  }
0x94: {  	[sflag:s10] =	ssyncset.done $0x0  }
0x95: {  	[sflag:s10] =	ssyncadd.s32 $0xFFFF8000  }
0x96: {  	s15 =	sadd.s32 $0x1, s15  }
0x97: {  	p0 =	sne.s32 s15, s9  }
.Ltmp3:
0x98: {  	_ = 	snop;
	(pc) =	sbr.rel @p0 .LBB2_1-.Ltmp3, $1  }
0x99: {  	_ =	sdelay $0x3  }
0x9a: {  	_ =	sfence.sel $0x180000  }
0x9b: {  	[bflag:$0x0] =	sbarrier.arrive $0xFFFF  }
0x9c: {  	p0 =	sne.s32 s3, $0x0;
	_ =	strace $0x90000047  }
0x9d: {  	s0 =	sadd.s32 @!p0 $0x100000, s0;
	[bflag:$0x2] =	sbarrier.arrive $0xFFFF  }
0x9e: {  	[sflag:s0] =	ssyncadd.tile.s32 @!p0 $0x1;
	_ =	shalt  }
.Lfunc_end2:
_tile_overlayer_lowered:
.L_overlay_start_2:
0x9f: {  	(tag) =	ssettag $0x2  }
0xa0: {  	s0 =	rddreg [dreg:$0x0];
	s2 =	stileid.u32  }
0xa1: {  	s1 =	rddreg [dreg:$0x1];
	p0 =	sne.s32 s2, $0x0  }
0xa2: {  	s3 =	rddreg [dreg:$0x2];
	[bflag:$0x3] =	sbarrier.arrive $0xFFFF;
	s2 =	simm.s32 @!p0 $0x1C01  }
0xa3: {  	[timem:s3], [sflag:s2] =	dma.local @!p0 [hbm:s0], s1  }
0xa4: {  	s0 =	simm.s32 @!p0 $0x1  }
0xa5: {  	_ =	swait.ge @!p0 [sflag:s0], s1  }
0xa6: {  	s1 =	ssub.s32 @!p0 $0x0, s1;
	[sflag:s0] =	ssyncset.done @!p0 $0x0  }
0xa7: {  	[sflag:s0] =	ssyncadd.s32 @!p0 s1  }
0xa8: {  	[bflag:$0x3] =	sbarrier.arrive $0xFFFF  }
0xa9: {  	_ =	shalt  }

</sc_bundles>
